<compile_context>
chip_gen: v7x
topology: tpu7x:2x2x1
jax: 0.10.2.dev20260603
libtpu: 0.0.44.dev20260713+nightly
codegen_flags: <defaults>
</compile_context>

<pallas_src>
import functools

import jax
import jax.numpy as jnp
from jax import lax
from jax.experimental import pallas as pl
from jax.experimental.pallas import tpu as pltpu
from jax.experimental.pallas import tpu_sc as plsc

N = 10000
E = 320000
D = 128

NC = 2
NS = 16
NW = NC * NS
SPAN = E // NW
C = 80
NCH = SPAN // C
N_PAD = 10240
NPS = N_PAD // NS

_EPS = 1e-5


def _ln(y, g, b):
    mu = jnp.mean(y, axis=-1, keepdims=True)
    var = jnp.mean((y - mu) ** 2, axis=-1, keepdims=True)
    return (y - mu) * lax.rsqrt(var + _EPS) * g + b


def _proj_body(x_ref, w_ref, o1_ref, o2_ref, o3_ref):
    x = x_ref[...]
    o1_ref[...] = jnp.dot(x, w_ref[0], preferred_element_type=jnp.float32)
    o2_ref[...] = jnp.dot(x, w_ref[1], preferred_element_type=jnp.float32)
    o3_ref[...] = jnp.dot(x, w_ref[2], preferred_element_type=jnp.float32)


def _proj(x, w3):
    out = jax.ShapeDtypeStruct((N, D), jnp.float32)
    return pl.pallas_call(
        _proj_body,
        out_shape=(out, out, out),
    )(x, w3)


_MESH = plsc.VectorSubcoreMesh(core_axis_name="c", subcore_axis_name="s")


@functools.partial(
    pl.kernel,
    out_type=(jax.ShapeDtypeStruct((E, D), jnp.float32),
              jax.ShapeDtypeStruct((E, D), jnp.float32)),
    mesh=_MESH,
    scratch_types=[
        pltpu.VMEM((C,), jnp.int32),
        pltpu.VMEM((C, D), jnp.float32),
        pltpu.VMEM((C,), jnp.int32),
        pltpu.VMEM((C, D), jnp.float32),
        pltpu.SemaphoreType.DMA,
        pltpu.SemaphoreType.DMA,
    ],
)
def _sc_gather(psrc, pdst, snd, rcv, g1, g2, idx1, buf1, idx2, buf2, s1, s2):
    wid = lax.axis_index("s") * NC + lax.axis_index("c")

    def body(j, carry):
        base = wid * SPAN + j * C
        pltpu.sync_copy(snd.at[pl.ds(base, C)], idx1)
        pltpu.sync_copy(rcv.at[pl.ds(base, C)], idx2)
        cp1 = pltpu.async_copy(psrc.at[idx1], buf1, s1)
        cp2 = pltpu.async_copy(pdst.at[idx2], buf2, s2)
        cp1.wait()
        cp2.wait()
        pltpu.sync_copy(buf1, g1.at[pl.ds(base, C)])
        pltpu.sync_copy(buf2, g2.at[pl.ds(base, C)])
        return carry

    lax.fori_loop(0, NCH, body, 0)


def _edge_body(g1_ref, g2_ref, e_ref, w1_ref, w2_ref, b1_ref, b2_ref,
               ge_ref, bbe_ref, ne_ref, eo_ref):
    eb = e_ref[...]
    x = (jnp.dot(eb, w1_ref[...], preferred_element_type=jnp.float32)
         + g1_ref[...] + g2_ref[...] + b1_ref[...])
    h = jnp.maximum(x, 0.0)
    y = jnp.dot(h, w2_ref[...], preferred_element_type=jnp.float32) + b2_ref[...]
    ne = _ln(y, ge_ref[...], bbe_ref[...])
    ne_ref[...] = ne
    eo_ref[...] = ne + eb


def _edge(g1, g2, e, w1, w2, b1, b2, ge, bbe):
    bm = 2000
    grid = (E // bm,)
    row = pl.BlockSpec((bm, D), lambda i: (i, 0))
    mat = pl.BlockSpec((D, D), lambda i: (0, 0))
    vec = pl.BlockSpec((1, D), lambda i: (0, 0))
    out = jax.ShapeDtypeStruct((E, D), jnp.float32)
    return pl.pallas_call(
        _edge_body,
        grid=grid,
        in_specs=[row, row, row, mat, mat, vec, vec, vec, vec],
        out_specs=(row, row),
        out_shape=(out, out),
    )(g1, g2, e, w1, w2, b1, b2, ge, bbe)


@functools.partial(
    pl.kernel,
    out_type=jax.ShapeDtypeStruct((NC * N_PAD, D), jnp.float32),
    mesh=_MESH,
    scratch_types=[
        pltpu.VMEM((C,), jnp.int32),
        pltpu.VMEM((C, D), jnp.float32),
        pltpu.VMEM_SHARED((N_PAD, D), jnp.float32),
    ],
)
def _sc_scatter(ne, rcv, zeros, part, idx, rows, acc):
    c = lax.axis_index("c")
    s = lax.axis_index("s")
    wid = s * NC + c
    pltpu.sync_copy(zeros.at[pl.ds(s * NPS, NPS)], acc.at[pl.ds(s * NPS, NPS)])
    plsc.subcore_barrier()

    def body(j, carry):
        base = wid * SPAN + j * C
        pltpu.sync_copy(ne.at[pl.ds(base, C)], rows)
        pltpu.sync_copy(rcv.at[pl.ds(base, C)], idx)
        pltpu.sync_copy(rows, acc.at[idx], add=True)
        return carry

    lax.fori_loop(0, NCH, body, 0)
    plsc.subcore_barrier()
    pltpu.sync_copy(acc.at[pl.ds(s * NPS, NPS)],
                    part.at[pl.ds(c * N_PAD + s * NPS, NPS)])


def _node_body(nf_ref, pn_ref, pa_ref, w1_ref, w2_ref, b1_ref, b2_ref,
               g_ref, b_ref, out_ref):
    agg = pa_ref[0] + pa_ref[1]
    x = (pn_ref[...]
         + jnp.dot(agg, w1_ref[...], preferred_element_type=jnp.float32)
         + b1_ref[...])
    h = jnp.maximum(x, 0.0)
    y = jnp.dot(h, w2_ref[...], preferred_element_type=jnp.float32) + b2_ref[...]
    out_ref[...] = _ln(y, g_ref[...], b_ref[...]) + nf_ref[...]


def _node(nf, pn, part, w1a, w2, b1, b2, g, b):
    bm = 2000
    grid = (N // bm,)
    row = pl.BlockSpec((bm, D), lambda i: (i, 0))
    pa = pl.BlockSpec((2, bm, D), lambda i: (0, i, 0))
    mat = pl.BlockSpec((D, D), lambda i: (0, 0))
    vec = pl.BlockSpec((1, D), lambda i: (0, 0))
    return pl.pallas_call(
        _node_body,
        grid=grid,
        in_specs=[row, row, pa, mat, mat, vec, vec, vec, vec],
        out_specs=row,
        out_shape=jax.ShapeDtypeStruct((N, D), jnp.float32),
    )(nf, pn, part, w1a, w2, b1, b2, g, b)


def kernel(node_features, edge_features, senders, receivers,
           We1, be1, We2, be2, ge, bbe,
           Wn1, bn1, Wn2, bn2, gn, bbn):
    w3 = jnp.stack([We1[:D], We1[D:2 * D], Wn1[:D]])
    psrc, pdst, pn = _proj(node_features, w3)

    g1, g2 = _sc_gather(psrc, pdst, senders, receivers)

    ne, eo = _edge(g1, g2, edge_features, We1[2 * D:], We2,
                   be1[None], be2[None], ge[None], bbe[None])

    zeros = jnp.zeros((N_PAD, D), jnp.float32)
    part = _sc_scatter(ne, receivers, zeros).reshape(NC, N_PAD, D)

    node_out = _node(node_features, pn, part, Wn1[D:], Wn2,
                     bn1[None], bn2[None], gn[None], bbn[None])
    return node_out, eo

# --- scband reference (transcript-rebuilt; emitter-appended) ---
"""Pipeline reference for scband-graph-net-block-34411277975959 (READ-ONLY COPY).

The authoritative reference and input builder live on the scoring server;
editing this copy changes nothing except your own understanding.
"""

import jax, jax.numpy as jnp
import numpy as np

N_NODES = 10000
N_EDGES = 320000
D = 128

def _layer_norm(x, g, b):
    mu = jnp.mean(x, axis=-1, keepdims=True)
    var = jnp.var(x, axis=-1, keepdims=True)
    return (x - mu) / jnp.sqrt(var + 1e-5) * g + b

def _mlp(x, W1, b1, W2, b2, g, b):
    h = jax.nn.relu(x @ W1 + b1)
    h = h @ W2 + b2
    return _layer_norm(h, g, b)

def setup_inputs(seed: int = 0) -> dict:
    key = jax.random.key(seed)
    ks = jax.random.split(key, 12)
    node_features = jax.random.normal(ks[0], (N_NODES, D), dtype=jnp.float32)
    edge_features = jax.random.normal(ks[1], (N_EDGES, D), dtype=jnp.float32)
    senders = jax.random.randint(ks[2], (N_EDGES,), 0, N_NODES, dtype=jnp.int32)
    receivers = jax.random.randint(ks[3], (N_EDGES,), 0, N_NODES, dtype=jnp.int32)
    # edge MLP params: input 2*D (src,dst) + D (edge) = 3*D
    We1 = jax.random.normal(ks[4], (3 * D, D), dtype=jnp.float32) / np.sqrt(3 * D)
    be1 = jnp.zeros((D,), dtype=jnp.float32)
    We2 = jax.random.normal(ks[5], (D, D), dtype=jnp.float32) / np.sqrt(D)
    be2 = jnp.zeros((D,), dtype=jnp.float32)
    ge = jnp.ones((D,), dtype=jnp.float32)
    bbe = jnp.zeros((D,), dtype=jnp.float32)
    # node MLP params: input D (node) + 1 edge-set * D (aggregated edges) = 2*D
    Wn1 = jax.random.normal(ks[6], (2 * D, D), dtype=jnp.float32) / np.sqrt(2 * D)
    bn1 = jnp.zeros((D,), dtype=jnp.float32)
    Wn2 = jax.random.normal(ks[7], (D, D), dtype=jnp.float32) / np.sqrt(D)
    bn2 = jnp.zeros((D,), dtype=jnp.float32)
    gn = jnp.ones((D,), dtype=jnp.float32)
    bbn = jnp.zeros((D,), dtype=jnp.float32)
    return {"node_features": node_features, "edge_features": edge_features,
            "senders": senders, "receivers": receivers,
            "We1": We1, "be1": be1, "We2": We2, "be2": be2, "ge": ge, "bbe": bbe,
            "Wn1": Wn1, "bn1": bn1, "Wn2": Wn2, "bn2": bn2, "gn": gn, "bbn": bbn}

def reference(node_features, edge_features, senders, receivers,
              We1, be1, We2, be2, ge, bbe,
              Wn1, bn1, Wn2, bn2, gn, bbn):
    # update_edge_features: gather src/dst node features, concat with edge features, MLP
    srcs = node_features[senders, :]
    dsts = node_features[receivers, :]
    edge_in = jnp.concatenate([srcs, dsts, edge_features], axis=-1)
    new_edge = _mlp(edge_in, We1, be1, We2, be2, ge, bbe)
    # update_node_features: unsorted segment sum of new edge features by receiver, concat, MLP
    agg = jax.ops.segment_sum(new_edge, receivers, num_segments=N_NODES)
    node_in = jnp.concatenate([node_features, agg], axis=-1)
    new_node = _mlp(node_in, Wn1, bn1, Wn2, bn2, gn, bbn)
    # residual connections
    return (new_node + node_features, new_edge + edge_features)

if __name__ == "__main__":
    import jax
    _d = setup_inputs()
    print(jax.jit(kernel)(*tuple(_d.values())))

</pallas_src>

<mosaic_0001>
#map = affine_map<(d0, d1) -> (0, 0)>
#map1 = affine_map<(d0, d1) -> (0)>
module attributes {stable_mosaic.version = 14 : i64} {
  func.func @_sc_scatter(%arg0: i32, %arg1: i32, %arg2: memref<320000x128xf32, #tpu.memory_space<hbm>>, %arg3: memref<320000xi32, #tpu.memory_space<hbm>>, %arg4: memref<10240x128xf32, #tpu.memory_space<hbm>>, %arg5: memref<20480x128xf32, #tpu.memory_space<hbm>>, %arg6: memref<80xi32, #tpu.memory_space<vmem>>, %arg7: memref<80x128xf32, #tpu.memory_space<vmem>>, %arg8: memref<10240x128xf32, #tpu.memory_space<vmem_shared>>) attributes {dimension_semantics = [#tpu.dimension_semantics<core_parallel>, #tpu.dimension_semantics<subcore_parallel>], iteration_bounds = array<i64: 2, 16>, scalar_prefetch = 0 : i64, scratch_operands = 3 : i64, tpu.core_type = #tpu.core_type<sc_vector_subcore>, window_params = [{transform_indices = #map}, {transform_indices = #map1}, {transform_indices = #map}, {transform_indices = #map}]} {
    %mul3A = arith.constant 2 : i32
    %mul3A_0 = arith.muli %arg1, %mul3A : i32
    %add3A = arith.addi %mul3A_0, %arg0 : i32
    %mul3A_1 = arith.constant 640 : i32
    %mul3A_2 = arith.muli %arg1, %mul3A_1 : i32
    %mul3A_3 = arith.constant 640 : i32
    %mul3A_4 = arith.muli %arg1, %mul3A_3 : i32
    "tpu.region"() ({
      %run_scoped3A = tpu.sem_alloc : memref<!tpu.dma_semaphore, #tpu.memory_space<semaphore_mem>>
      %dma_start3A = arith.constant 0 : i32
      %dma_start3A_18 = tpu.memref_slice %arg8[%mul3A_4, %dma_start3A] : memref<10240x128xf32, #tpu.memory_space<vmem_shared>> -> memref<640x128xf32, #tpu.memory_space<vmem_shared>>
      %dma_start3A_19 = arith.constant 0 : i32
      %dma_start3A_20 = tpu.memref_slice %arg4[%mul3A_2, %dma_start3A_19] : memref<10240x128xf32, #tpu.memory_space<hbm>> -> memref<640x128xf32, #tpu.memory_space<hbm>>
      tpu.enqueue_dma source(%dma_start3A_20 : memref<640x128xf32, #tpu.memory_space<hbm>>) target(%dma_start3A_18 : memref<640x128xf32, #tpu.memory_space<vmem_shared>>) target_semaphore(%run_scoped3A : memref<!tpu.dma_semaphore, #tpu.memory_space<semaphore_mem>>)
      %dma_wait3A = arith.constant 0 : i32
      %dma_wait3A_21 = tpu.memref_slice %arg8[%mul3A_4, %dma_wait3A] : memref<10240x128xf32, #tpu.memory_space<vmem_shared>> -> memref<640x128xf32, #tpu.memory_space<vmem_shared>>
      %dma_wait3A_22 = arith.constant 0 : i32
      %dma_wait3A_23 = tpu.memref_slice %arg4[%mul3A_2, %dma_wait3A_22] : memref<10240x128xf32, #tpu.memory_space<hbm>> -> memref<640x128xf32, #tpu.memory_space<hbm>>
      tpu.wait_dma2 semaphore(%run_scoped3A : memref<!tpu.dma_semaphore, #tpu.memory_space<semaphore_mem>>) src(%dma_wait3A_23 : memref<640x128xf32, #tpu.memory_space<hbm>>) dst(%dma_wait3A_21 : memref<640x128xf32, #tpu.memory_space<vmem_shared>>)
      tpu.yield
    }) : () -> ()
    %barrier3A = arith.constant 0 : index
    tpu.barrier barrier_id(%barrier3A)
    %scan3A = arith.constant 0 : i32
    %scan3A_5 = arith.constant 0 : i32
    %scan3A_6 = arith.constant 125 : i32
    %scan3A_7 = arith.addi %scan3A_5, %scan3A_6 : i32
    %scan3A_8 = arith.constant 1 : i32
    scf.for %scan3A_18 = %scan3A_5 to %scan3A_7 step %scan3A_8  : i32 {
      %mul3A_19 = arith.constant 10000 : i32
      %mul3A_20 = arith.muli %add3A, %mul3A_19 : i32
      %mul3A_21 = arith.constant 80 : i32
      %mul3A_22 = arith.muli %scan3A_18, %mul3A_21 : i32
      %add3A_23 = arith.addi %mul3A_20, %mul3A_22 : i32
      "tpu.region"() ({
        %run_scoped3A = tpu.sem_alloc : memref<!tpu.dma_semaphore, #tpu.memory_space<semaphore_mem>>
        %dma_start3A = arith.constant 0 : i32
        %dma_start3A_24 = tpu.memref_slice %arg2[%add3A_23, %dma_start3A] : memref<320000x128xf32, #tpu.memory_space<hbm>> -> memref<80x128xf32, #tpu.memory_space<hbm>>
        %dma_start3A_25 = arith.constant 0 : i32
        %dma_start3A_26 = tpu.memref_slice %arg2[%add3A_23, %dma_start3A_25] : memref<320000x128xf32, #tpu.memory_space<hbm>> -> memref<80x128xf32, #tpu.memory_space<hbm>>
        tpu.enqueue_dma source(%dma_start3A_26 : memref<80x128xf32, #tpu.memory_space<hbm>>) target(%arg7 : memref<80x128xf32, #tpu.memory_space<vmem>>) target_semaphore(%run_scoped3A : memref<!tpu.dma_semaphore, #tpu.memory_space<semaphore_mem>>)
        %dma_wait3A = arith.constant 0 : i32
        %dma_wait3A_27 = tpu.memref_slice %arg2[%add3A_23, %dma_wait3A] : memref<320000x128xf32, #tpu.memory_space<hbm>> -> memref<80x128xf32, #tpu.memory_space<hbm>>
        %dma_wait3A_28 = arith.constant 0 : i32
        %dma_wait3A_29 = tpu.memref_slice %arg2[%add3A_23, %dma_wait3A_28] : memref<320000x128xf32, #tpu.memory_space<hbm>> -> memref<80x128xf32, #tpu.memory_space<hbm>>
        tpu.wait_dma2 semaphore(%run_scoped3A : memref<!tpu.dma_semaphore, #tpu.memory_space<semaphore_mem>>) src(%dma_wait3A_29 : memref<80x128xf32, #tpu.memory_space<hbm>>) dst(%arg7 : memref<80x128xf32, #tpu.memory_space<vmem>>)
        tpu.yield
      }) : () -> ()
      "tpu.region"() ({
        %run_scoped3A = tpu.sem_alloc : memref<!tpu.dma_semaphore, #tpu.memory_space<semaphore_mem>>
        %dma_start3A = tpu.memref_slice %arg3[%add3A_23] : memref<320000xi32, #tpu.memory_space<hbm>> -> memref<80xi32, #tpu.memory_space<hbm>>
        %dma_start3A_24 = tpu.memref_slice %arg3[%add3A_23] : memref<320000xi32, #tpu.memory_space<hbm>> -> memref<80xi32, #tpu.memory_space<hbm>>
        tpu.enqueue_dma source(%dma_start3A_24 : memref<80xi32, #tpu.memory_space<hbm>>) target(%arg6 : memref<80xi32, #tpu.memory_space<vmem>>) target_semaphore(%run_scoped3A : memref<!tpu.dma_semaphore, #tpu.memory_space<semaphore_mem>>)
        %dma_wait3A = tpu.memref_slice %arg3[%add3A_23] : memref<320000xi32, #tpu.memory_space<hbm>> -> memref<80xi32, #tpu.memory_space<hbm>>
        %dma_wait3A_25 = tpu.memref_slice %arg3[%add3A_23] : memref<320000xi32, #tpu.memory_space<hbm>> -> memref<80xi32, #tpu.memory_space<hbm>>
        tpu.wait_dma2 semaphore(%run_scoped3A : memref<!tpu.dma_semaphore, #tpu.memory_space<semaphore_mem>>) src(%dma_wait3A_25 : memref<80xi32, #tpu.memory_space<hbm>>) dst(%arg6 : memref<80xi32, #tpu.memory_space<vmem>>)
        tpu.yield
      }) : () -> ()
      "tpu.region"() ({
        %run_scoped3A = tpu.sem_alloc : memref<!tpu.dma_semaphore, #tpu.memory_space<semaphore_mem>>
        %dma_start3A = arith.constant 0 : i32
        %dma_start3A_24 = arith.constant 0 : i32
        %dma_start3A_25 = tpu.memref_slice %arg8[%dma_start3A, %dma_start3A_24] : memref<10240x128xf32, #tpu.memory_space<vmem_shared>> -> memref<10240x128xf32, #tpu.memory_space<vmem_shared>>
        tpu.enqueue_indirect_dma source(%arg7 : memref<80x128xf32, #tpu.memory_space<vmem>>) target(%dma_start3A_25 : memref<10240x128xf32, #tpu.memory_space<vmem_shared>>) offsets(%arg6 : memref<80xi32, #tpu.memory_space<vmem>>) semaphore(%run_scoped3A : memref<!tpu.dma_semaphore, #tpu.memory_space<semaphore_mem>>) {add = true}
        %dma_wait3A = arith.constant 0 : i32
        %dma_wait3A_26 = arith.constant 0 : i32
        %dma_wait3A_27 = tpu.memref_slice %arg8[%dma_wait3A, %dma_wait3A_26] : memref<10240x128xf32, #tpu.memory_space<vmem_shared>> -> memref<10240x128xf32, #tpu.memory_space<vmem_shared>>
        tpu.wait_indirect_dma semaphore(%run_scoped3A : memref<!tpu.dma_semaphore, #tpu.memory_space<semaphore_mem>>) src(%arg7 : memref<80x128xf32, #tpu.memory_space<vmem>>) dst(%dma_wait3A_27 : memref<10240x128xf32, #tpu.memory_space<vmem_shared>>)
        tpu.yield
      }) : () -> ()
    }
    %scan3A_9 = arith.constant 125 : i32
    %barrier3A_10 = arith.constant 0 : index
    tpu.barrier barrier_id(%barrier3A_10)
    %mul3A_11 = arith.constant 640 : i32
    %mul3A_12 = arith.muli %arg1, %mul3A_11 : i32
    %mul3A_13 = arith.constant 10240 : i32
    %mul3A_14 = arith.muli %arg0, %mul3A_13 : i32
    %mul3A_15 = arith.constant 640 : i32
    %mul3A_16 = arith.muli %arg1, %mul3A_15 : i32
    %add3A_17 = arith.addi %mul3A_14, %mul3A_16 : i32
    "tpu.region"() ({
      %run_scoped3A = tpu.sem_alloc : memref<!tpu.dma_semaphore, #tpu.memory_space<semaphore_mem>>
      %dma_start3A = arith.constant 0 : i32
      %dma_start3A_18 = tpu.memref_slice %arg5[%add3A_17, %dma_start3A] : memref<20480x128xf32, #tpu.memory_space<hbm>> -> memref<640x128xf32, #tpu.memory_space<hbm>>
      %dma_start3A_19 = arith.constant 0 : i32
      %dma_start3A_20 = tpu.memref_slice %arg8[%mul3A_12, %dma_start3A_19] : memref<10240x128xf32, #tpu.memory_space<vmem_shared>> -> memref<640x128xf32, #tpu.memory_space<vmem_shared>>
      tpu.enqueue_dma source(%dma_start3A_20 : memref<640x128xf32, #tpu.memory_space<vmem_shared>>) target(%dma_start3A_18 : memref<640x128xf32, #tpu.memory_space<hbm>>) target_semaphore(%run_scoped3A : memref<!tpu.dma_semaphore, #tpu.memory_space<semaphore_mem>>)
      %dma_wait3A = arith.constant 0 : i32
      %dma_wait3A_21 = tpu.memref_slice %arg5[%add3A_17, %dma_wait3A] : memref<20480x128xf32, #tpu.memory_space<hbm>> -> memref<640x128xf32, #tpu.memory_space<hbm>>
      %dma_wait3A_22 = arith.constant 0 : i32
      %dma_wait3A_23 = tpu.memref_slice %arg8[%mul3A_12, %dma_wait3A_22] : memref<10240x128xf32, #tpu.memory_space<vmem_shared>> -> memref<640x128xf32, #tpu.memory_space<vmem_shared>>
      tpu.wait_dma2 semaphore(%run_scoped3A : memref<!tpu.dma_semaphore, #tpu.memory_space<semaphore_mem>>) src(%dma_wait3A_23 : memref<640x128xf32, #tpu.memory_space<vmem_shared>>) dst(%dma_wait3A_21 : memref<640x128xf32, #tpu.memory_space<hbm>>)
      tpu.yield
    }) : () -> ()
    return
  }
}

#map = affine_map<(d0, d1) -> (0, 0)>
#map1 = affine_map<(d0, d1) -> (0)>
module attributes {stable_mosaic.version = 14 : i64} {
  func.func @_sc_gather(%arg0: i32, %arg1: i32, %arg2: memref<10000x128xf32, #tpu.memory_space<hbm>>, %arg3: memref<10000x128xf32, #tpu.memory_space<hbm>>, %arg4: memref<320000xi32, #tpu.memory_space<hbm>>, %arg5: memref<320000xi32, #tpu.memory_space<hbm>>, %arg6: memref<320000x128xf32, #tpu.memory_space<hbm>>, %arg7: memref<320000x128xf32, #tpu.memory_space<hbm>>, %arg8: memref<80xi32, #tpu.memory_space<vmem>>, %arg9: memref<80x128xf32, #tpu.memory_space<vmem>>, %arg10: memref<80xi32, #tpu.memory_space<vmem>>, %arg11: memref<80x128xf32, #tpu.memory_space<vmem>>, %arg12: memref<!tpu.dma_semaphore, #tpu.memory_space<semaphore_mem>>, %arg13: memref<!tpu.dma_semaphore, #tpu.memory_space<semaphore_mem>>) attributes {dimension_semantics = [#tpu.dimension_semantics<core_parallel>, #tpu.dimension_semantics<subcore_parallel>], iteration_bounds = array<i64: 2, 16>, scalar_prefetch = 0 : i64, scratch_operands = 6 : i64, tpu.core_type = #tpu.core_type<sc_vector_subcore>, window_params = [{transform_indices = #map}, {transform_indices = #map}, {transform_indices = #map1}, {transform_indices = #map1}, {transform_indices = #map}, {transform_indices = #map}]} {
    %mul3A = arith.constant 2 : i32
    %mul3A_0 = arith.muli %arg1, %mul3A : i32
    %add3A = arith.addi %mul3A_0, %arg0 : i32
    %scan3A = arith.constant 0 : i32
    %scan3A_1 = arith.constant 0 : i32
    %scan3A_2 = arith.constant 125 : i32
    %scan3A_3 = arith.addi %scan3A_1, %scan3A_2 : i32
    %scan3A_4 = arith.constant 1 : i32
    scf.for %scan3A_6 = %scan3A_1 to %scan3A_3 step %scan3A_4  : i32 {
      %mul3A_7 = arith.constant 10000 : i32
      %mul3A_8 = arith.muli %add3A, %mul3A_7 : i32
      %mul3A_9 = arith.constant 80 : i32
      %mul3A_10 = arith.muli %scan3A_6, %mul3A_9 : i32
      %add3A_11 = arith.addi %mul3A_8, %mul3A_10 : i32
      "tpu.region"() ({
        %run_scoped3A = tpu.sem_alloc : memref<!tpu.dma_semaphore, #tpu.memory_space<semaphore_mem>>
        %dma_start3A_22 = tpu.memref_slice %arg4[%add3A_11] : memref<320000xi32, #tpu.memory_space<hbm>> -> memref<80xi32, #tpu.memory_space<hbm>>
        %dma_start3A_23 = tpu.memref_slice %arg4[%add3A_11] : memref<320000xi32, #tpu.memory_space<hbm>> -> memref<80xi32, #tpu.memory_space<hbm>>
        tpu.enqueue_dma source(%dma_start3A_23 : memref<80xi32, #tpu.memory_space<hbm>>) target(%arg8 : memref<80xi32, #tpu.memory_space<vmem>>) target_semaphore(%run_scoped3A : memref<!tpu.dma_semaphore, #tpu.memory_space<semaphore_mem>>)
        %dma_wait3A_24 = tpu.memref_slice %arg4[%add3A_11] : memref<320000xi32, #tpu.memory_space<hbm>> -> memref<80xi32, #tpu.memory_space<hbm>>
        %dma_wait3A_25 = tpu.memref_slice %arg4[%add3A_11] : memref<320000xi32, #tpu.memory_space<hbm>> -> memref<80xi32, #tpu.memory_space<hbm>>
        tpu.wait_dma2 semaphore(%run_scoped3A : memref<!tpu.dma_semaphore, #tpu.memory_space<semaphore_mem>>) src(%dma_wait3A_25 : memref<80xi32, #tpu.memory_space<hbm>>) dst(%arg8 : memref<80xi32, #tpu.memory_space<vmem>>)
        tpu.yield
      }) : () -> ()
      "tpu.region"() ({
        %run_scoped3A = tpu.sem_alloc : memref<!tpu.dma_semaphore, #tpu.memory_space<semaphore_mem>>
        %dma_start3A_22 = tpu.memref_slice %arg5[%add3A_11] : memref<320000xi32, #tpu.memory_space<hbm>> -> memref<80xi32, #tpu.memory_space<hbm>>
        %dma_start3A_23 = tpu.memref_slice %arg5[%add3A_11] : memref<320000xi32, #tpu.memory_space<hbm>> -> memref<80xi32, #tpu.memory_space<hbm>>
        tpu.enqueue_dma source(%dma_start3A_23 : memref<80xi32, #tpu.memory_space<hbm>>) target(%arg10 : memref<80xi32, #tpu.memory_space<vmem>>) target_semaphore(%run_scoped3A : memref<!tpu.dma_semaphore, #tpu.memory_space<semaphore_mem>>)
        %dma_wait3A_24 = tpu.memref_slice %arg5[%add3A_11] : memref<320000xi32, #tpu.memory_space<hbm>> -> memref<80xi32, #tpu.memory_space<hbm>>
        %dma_wait3A_25 = tpu.memref_slice %arg5[%add3A_11] : memref<320000xi32, #tpu.memory_space<hbm>> -> memref<80xi32, #tpu.memory_space<hbm>>
        tpu.wait_dma2 semaphore(%run_scoped3A : memref<!tpu.dma_semaphore, #tpu.memory_space<semaphore_mem>>) src(%dma_wait3A_25 : memref<80xi32, #tpu.memory_space<hbm>>) dst(%arg10 : memref<80xi32, #tpu.memory_space<vmem>>)
        tpu.yield
      }) : () -> ()
      %dma_start3A = arith.constant 0 : i32
      %dma_start3A_12 = arith.constant 0 : i32
      %dma_start3A_13 = tpu.memref_slice %arg2[%dma_start3A, %dma_start3A_12] : memref<10000x128xf32, #tpu.memory_space<hbm>> -> memref<10000x128xf32, #tpu.memory_space<hbm>>
      tpu.enqueue_indirect_dma source(%dma_start3A_13 : memref<10000x128xf32, #tpu.memory_space<hbm>>) target(%arg9 : memref<80x128xf32, #tpu.memory_space<vmem>>) offsets(%arg8 : memref<80xi32, #tpu.memory_space<vmem>>) semaphore(%arg12 : memref<!tpu.dma_semaphore, #tpu.memory_space<semaphore_mem>>)
      %dma_start3A_14 = arith.constant 0 : i32
      %dma_start3A_15 = arith.constant 0 : i32
      %dma_start3A_16 = tpu.memref_slice %arg3[%dma_start3A_14, %dma_start3A_15] : memref<10000x128xf32, #tpu.memory_space<hbm>> -> memref<10000x128xf32, #tpu.memory_space<hbm>>
      tpu.enqueue_indirect_dma source(%dma_start3A_16 : memref<10000x128xf32, #tpu.memory_space<hbm>>) target(%arg11 : memref<80x128xf32, #tpu.memory_space<vmem>>) offsets(%arg10 : memref<80xi32, #tpu.memory_space<vmem>>) semaphore(%arg13 : memref<!tpu.dma_semaphore, #tpu.memory_space<semaphore_mem>>)
      %dma_wait3A = arith.constant 0 : i32
      %dma_wait3A_17 = arith.constant 0 : i32
      %dma_wait3A_18 = tpu.memref_slice %arg2[%dma_wait3A, %dma_wait3A_17] : memref<10000x128xf32, #tpu.memory_space<hbm>> -> memref<10000x128xf32, #tpu.memory_space<hbm>>
      tpu.wait_indirect_dma semaphore(%arg12 : memref<!tpu.dma_semaphore, #tpu.memory_space<semaphore_mem>>) src(%dma_wait3A_18 : memref<10000x128xf32, #tpu.memory_space<hbm>>) dst(%arg9 : memref<80x128xf32, #tpu.memory_space<vmem>>)
      %dma_wait3A_19 = arith.constant 0 : i32
      %dma_wait3A_20 = arith.constant 0 : i32
      %dma_wait3A_21 = tpu.memref_slice %arg3[%dma_wait3A_19, %dma_wait3A_20] : memref<10000x128xf32, #tpu.memory_space<hbm>> -> memref<10000x128xf32, #tpu.memory_space<hbm>>
      tpu.wait_indirect_dma semaphore(%arg13 : memref<!tpu.dma_semaphore, #tpu.memory_space<semaphore_mem>>) src(%dma_wait3A_21 : memref<10000x128xf32, #tpu.memory_space<hbm>>) dst(%arg11 : memref<80x128xf32, #tpu.memory_space<vmem>>)
      "tpu.region"() ({
        %run_scoped3A = tpu.sem_alloc : memref<!tpu.dma_semaphore, #tpu.memory_space<semaphore_mem>>
        %dma_start3A_22 = arith.constant 0 : i32
        %dma_start3A_23 = tpu.memref_slice %arg6[%add3A_11, %dma_start3A_22] : memref<320000x128xf32, #tpu.memory_space<hbm>> -> memref<80x128xf32, #tpu.memory_space<hbm>>
        %dma_start3A_24 = arith.constant 0 : i32
        %dma_start3A_25 = tpu.memref_slice %arg6[%add3A_11, %dma_start3A_24] : memref<320000x128xf32, #tpu.memory_space<hbm>> -> memref<80x128xf32, #tpu.memory_space<hbm>>
        tpu.enqueue_dma source(%arg9 : memref<80x128xf32, #tpu.memory_space<vmem>>) target(%dma_start3A_25 : memref<80x128xf32, #tpu.memory_space<hbm>>) target_semaphore(%run_scoped3A : memref<!tpu.dma_semaphore, #tpu.memory_space<semaphore_mem>>)
        %dma_wait3A_26 = arith.constant 0 : i32
        %dma_wait3A_27 = tpu.memref_slice %arg6[%add3A_11, %dma_wait3A_26] : memref<320000x128xf32, #tpu.memory_space<hbm>> -> memref<80x128xf32, #tpu.memory_space<hbm>>
        %dma_wait3A_28 = arith.constant 0 : i32
        %dma_wait3A_29 = tpu.memref_slice %arg6[%add3A_11, %dma_wait3A_28] : memref<320000x128xf32, #tpu.memory_space<hbm>> -> memref<80x128xf32, #tpu.memory_space<hbm>>
        tpu.wait_dma2 semaphore(%run_scoped3A : memref<!tpu.dma_semaphore, #tpu.memory_space<semaphore_mem>>) src(%arg9 : memref<80x128xf32, #tpu.memory_space<vmem>>) dst(%dma_wait3A_29 : memref<80x128xf32, #tpu.memory_space<hbm>>)
        tpu.yield
      }) : () -> ()
      "tpu.region"() ({
        %run_scoped3A = tpu.sem_alloc : memref<!tpu.dma_semaphore, #tpu.memory_space<semaphore_mem>>
        %dma_start3A_22 = arith.constant 0 : i32
        %dma_start3A_23 = tpu.memref_slice %arg7[%add3A_11, %dma_start3A_22] : memref<320000x128xf32, #tpu.memory_space<hbm>> -> memref<80x128xf32, #tpu.memory_space<hbm>>
        %dma_start3A_24 = arith.constant 0 : i32
        %dma_start3A_25 = tpu.memref_slice %arg7[%add3A_11, %dma_start3A_24] : memref<320000x128xf32, #tpu.memory_space<hbm>> -> memref<80x128xf32, #tpu.memory_space<hbm>>
        tpu.enqueue_dma source(%arg11 : memref<80x128xf32, #tpu.memory_space<vmem>>) target(%dma_start3A_25 : memref<80x128xf32, #tpu.memory_space<hbm>>) target_semaphore(%run_scoped3A : memref<!tpu.dma_semaphore, #tpu.memory_space<semaphore_mem>>)
        %dma_wait3A_26 = arith.constant 0 : i32
        %dma_wait3A_27 = tpu.memref_slice %arg7[%add3A_11, %dma_wait3A_26] : memref<320000x128xf32, #tpu.memory_space<hbm>> -> memref<80x128xf32, #tpu.memory_space<hbm>>
        %dma_wait3A_28 = arith.constant 0 : i32
        %dma_wait3A_29 = tpu.memref_slice %arg7[%add3A_11, %dma_wait3A_28] : memref<320000x128xf32, #tpu.memory_space<hbm>> -> memref<80x128xf32, #tpu.memory_space<hbm>>
        tpu.wait_dma2 semaphore(%run_scoped3A : memref<!tpu.dma_semaphore, #tpu.memory_space<semaphore_mem>>) src(%arg11 : memref<80x128xf32, #tpu.memory_space<vmem>>) dst(%dma_wait3A_29 : memref<80x128xf32, #tpu.memory_space<hbm>>)
        tpu.yield
      }) : () -> ()
    }
    %scan3A_5 = arith.constant 125 : i32
    return
  }
}

module attributes {stable_mosaic.version = 14 : i64} {
  func.func @_edge_body(%arg0: i32, %arg1: memref<2000x128xf32, #tpu.memory_space<vmem>>, %arg2: memref<2000x128xf32, #tpu.memory_space<vmem>>, %arg3: memref<2000x128xf32, #tpu.memory_space<vmem>>, %arg4: memref<128x128xf32, #tpu.memory_space<vmem>>, %arg5: memref<128x128xf32, #tpu.memory_space<vmem>>, %arg6: memref<1x128xf32, #tpu.memory_space<vmem>>, %arg7: memref<1x128xf32, #tpu.memory_space<vmem>>, %arg8: memref<1x128xf32, #tpu.memory_space<vmem>>, %arg9: memref<1x128xf32, #tpu.memory_space<vmem>>, %arg10: memref<2000x128xf32, #tpu.memory_space<vmem>>, %arg11: memref<2000x128xf32, #tpu.memory_space<vmem>>) attributes {dimension_semantics = [#tpu.dimension_semantics<arbitrary>], iteration_bounds = array<i64: 160>, scalar_prefetch = 0 : i64, scratch_operands = 0 : i64, tpu.core_type = #tpu.core_type<tc>, window_params = [{transform_indices = @transform_0, window_bounds = array<i64: 2000, 128>}, {transform_indices = @transform_1, window_bounds = array<i64: 2000, 128>}, {transform_indices = @transform_2, window_bounds = array<i64: 2000, 128>}, {pipeline_mode = #tpu.pipeline_mode<synchronous>, transform_indices = @transform_3, window_bounds = array<i64: 128, 128>}, {pipeline_mode = #tpu.pipeline_mode<synchronous>, transform_indices = @transform_4, window_bounds = array<i64: 128, 128>}, {pipeline_mode = #tpu.pipeline_mode<synchronous>, transform_indices = @transform_5, window_bounds = array<i64: 1, 128>}, {pipeline_mode = #tpu.pipeline_mode<synchronous>, transform_indices = @transform_6, window_bounds = array<i64: 1, 128>}, {pipeline_mode = #tpu.pipeline_mode<synchronous>, transform_indices = @transform_7, window_bounds = array<i64: 1, 128>}, {pipeline_mode = #tpu.pipeline_mode<synchronous>, transform_indices = @transform_8, window_bounds = array<i64: 1, 128>}, {transform_indices = @transform_9, window_bounds = array<i64: 2000, 128>}, {transform_indices = @transform_10, window_bounds = array<i64: 2000, 128>}]} {
    %get3A = arith.constant 0 : index
    %get3A_0 = arith.constant 0 : index
    %get3A_1 = vector.load %arg3[%get3A, %get3A_0] : memref<2000x128xf32, #tpu.memory_space<vmem>>, vector<2000x128xf32>
    %get3A_2 = arith.constant 0 : index
    %get3A_3 = arith.constant 0 : index
    %get3A_4 = vector.load %arg4[%get3A_2, %get3A_3] : memref<128x128xf32, #tpu.memory_space<vmem>>, vector<128x128xf32>
    %dot_general3A = arith.constant dense<0.000000e+00> : vector<2000x128xf32>
    %dot_general3A_5 = tpu.matmul %get3A_1, %get3A_4, %dot_general3A {dimension_numbers = #tpu.dot_dimension_numbers<[1], [0], [0], [1], [0, 0, 1, 1], [], []>, transpose_lhs_hint = false} : vector<2000x128xf32>, vector<128x128xf32>, vector<2000x128xf32> -> vector<2000x128xf32>
    %get3A_6 = arith.constant 0 : index
    %get3A_7 = arith.constant 0 : index
    %get3A_8 = vector.load %arg1[%get3A_6, %get3A_7] : memref<2000x128xf32, #tpu.memory_space<vmem>>, vector<2000x128xf32>
    %add3A = arith.addf %dot_general3A_5, %get3A_8 : vector<2000x128xf32>
    %get3A_9 = arith.constant 0 : index
    %get3A_10 = arith.constant 0 : index
    %get3A_11 = vector.load %arg2[%get3A_9, %get3A_10] : memref<2000x128xf32, #tpu.memory_space<vmem>>, vector<2000x128xf32>
    %add3A_12 = arith.addf %add3A, %get3A_11 : vector<2000x128xf32>
    %get3A_13 = arith.constant 0 : index
    %get3A_14 = arith.constant 0 : index
    %get3A_15 = vector.load %arg6[%get3A_13, %get3A_14] : memref<1x128xf32, #tpu.memory_space<vmem>>, vector<1x128xf32>
    %add3A_16 = vector.broadcast %get3A_15 : vector<1x128xf32> to vector<2000x128xf32>
    %add3A_17 = arith.addf %add3A_12, %add3A_16 : vector<2000x128xf32>
    %max3A = arith.constant 0.000000e+00 : f32
    %max3A_18 = vector.broadcast %max3A : f32 to vector<2000x128xf32>
    %max3A_19 = arith.maximumf %add3A_17, %max3A_18 : vector<2000x128xf32>
    %get3A_20 = arith.constant 0 : index
    %get3A_21 = arith.constant 0 : index
    %get3A_22 = vector.load %arg5[%get3A_20, %get3A_21] : memref<128x128xf32, #tpu.memory_space<vmem>>, vector<128x128xf32>
    %dot_general3A_23 = arith.constant dense<0.000000e+00> : vector<2000x128xf32>
    %dot_general3A_24 = tpu.matmul %max3A_19, %get3A_22, %dot_general3A_23 {dimension_numbers = #tpu.dot_dimension_numbers<[1], [0], [0], [1], [0, 0, 1, 1], [], []>, transpose_lhs_hint = false} : vector<2000x128xf32>, vector<128x128xf32>, vector<2000x128xf32> -> vector<2000x128xf32>
    %get3A_25 = arith.constant 0 : index
    %get3A_26 = arith.constant 0 : index
    %get3A_27 = vector.load %arg7[%get3A_25, %get3A_26] : memref<1x128xf32, #tpu.memory_space<vmem>>, vector<1x128xf32>
    %add3A_28 = vector.broadcast %get3A_27 : vector<1x128xf32> to vector<2000x128xf32>
    %add3A_29 = arith.addf %dot_general3A_24, %add3A_28 : vector<2000x128xf32>
    %get3A_30 = arith.constant 0 : index
    %get3A_31 = arith.constant 0 : index
    %get3A_32 = vector.load %arg8[%get3A_30, %get3A_31] : memref<1x128xf32, #tpu.memory_space<vmem>>, vector<1x128xf32>
    %get3A_33 = arith.constant 0 : index
    %get3A_34 = arith.constant 0 : index
    %get3A_35 = vector.load %arg9[%get3A_33, %get3A_34] : memref<1x128xf32, #tpu.memory_space<vmem>>, vector<1x128xf32>
    %reduce_sum3A = arith.constant dense<0.000000e+00> : vector<2000xf32>
    %reduce_sum3A_36 = vector.multi_reduction <add>, %add3A_29, %reduce_sum3A [1] : vector<2000x128xf32> to vector<2000xf32>
    %broadcast_in_dim3A = vector.shape_cast %reduce_sum3A_36 : vector<2000xf32> to vector<2000x1xf32>
    %div3A = arith.constant 1.280000e+02 : f32
    %div3A_37 = vector.broadcast %div3A : f32 to vector<2000x1xf32>
    %div3A_38 = arith.divf %broadcast_in_dim3A, %div3A_37 : vector<2000x1xf32>
    %sub3A = vector.broadcast %div3A_38 : vector<2000x1xf32> to vector<2000x128xf32>
    %sub3A_39 = arith.subf %add3A_29, %sub3A : vector<2000x128xf32>
    %integer_pow3A = arith.mulf %sub3A_39, %sub3A_39 : vector<2000x128xf32>
    %reduce_sum3A_40 = arith.constant dense<0.000000e+00> : vector<2000xf32>
    %reduce_sum3A_41 = vector.multi_reduction <add>, %integer_pow3A, %reduce_sum3A_40 [1] : vector<2000x128xf32> to vector<2000xf32>
    %broadcast_in_dim3A_42 = vector.shape_cast %reduce_sum3A_41 : vector<2000xf32> to vector<2000x1xf32>
    %div3A_43 = arith.constant 1.280000e+02 : f32
    %div3A_44 = vector.broadcast %div3A_43 : f32 to vector<2000x1xf32>
    %div3A_45 = arith.divf %broadcast_in_dim3A_42, %div3A_44 : vector<2000x1xf32>
    %sub3A_46 = vector.broadcast %div3A_38 : vector<2000x1xf32> to vector<2000x128xf32>
    %sub3A_47 = arith.subf %add3A_29, %sub3A_46 : vector<2000x128xf32>
    %add3A_48 = arith.constant 9.99999974E-6 : f32
    %add3A_49 = vector.broadcast %add3A_48 : f32 to vector<2000x1xf32>
    %add3A_50 = arith.addf %div3A_45, %add3A_49 : vector<2000x1xf32>
    %rsqrt3A = math.rsqrt %add3A_50 : vector<2000x1xf32>
    %mul3A = vector.broadcast %rsqrt3A : vector<2000x1xf32> to vector<2000x128xf32>
    %mul3A_51 = arith.mulf %sub3A_47, %mul3A : vector<2000x128xf32>
    %mul3A_52 = vector.broadcast %get3A_32 : vector<1x128xf32> to vector<2000x128xf32>
    %mul3A_53 = arith.mulf %mul3A_51, %mul3A_52 : vector<2000x128xf32>
    %add3A_54 = vector.broadcast %get3A_35 : vector<1x128xf32> to vector<2000x128xf32>
    %add3A_55 = arith.addf %mul3A_53, %add3A_54 : vector<2000x128xf32>
    %swap3A = arith.constant 0 : index
    %swap3A_56 = arith.constant 0 : index
    %swap3A_57 = vector.load %arg10[%swap3A, %swap3A_56] : memref<2000x128xf32, #tpu.memory_space<vmem>>, vector<2000x128xf32>
    tpu.vector_store %arg10[%swap3A, %swap3A_56], %add3A_55 {strides = array<i32>} : memref<2000x128xf32, #tpu.memory_space<vmem>>, vector<2000x128xf32>,
    %add3A_58 = arith.addf %add3A_55, %get3A_1 : vector<2000x128xf32>
    %swap3A_59 = arith.constant 0 : index
    %swap3A_60 = arith.constant 0 : index
    %swap3A_61 = vector.load %arg11[%swap3A_59, %swap3A_60] : memref<2000x128xf32, #tpu.memory_space<vmem>>, vector<2000x128xf32>
    tpu.vector_store %arg11[%swap3A_59, %swap3A_60], %add3A_58 {strides = array<i32>} : memref<2000x128xf32, #tpu.memory_space<vmem>>, vector<2000x128xf32>,
    return
  }
  func.func @transform_0(%arg0: i32) -> (i32, i32) {
    %c0_i32 = arith.constant 0 : i32
    %c0_i32_0 = arith.constant 0 : i32
    return %arg0, %c0_i32 : i32, i32
  }
  func.func @transform_1(%arg0: i32) -> (i32, i32) {
    %c0_i32 = arith.constant 0 : i32
    %c0_i32_0 = arith.constant 0 : i32
    return %arg0, %c0_i32 : i32, i32
  }
  func.func @transform_2(%arg0: i32) -> (i32, i32) {
    %c0_i32 = arith.constant 0 : i32
    %c0_i32_0 = arith.constant 0 : i32
    return %arg0, %c0_i32 : i32, i32
  }
  func.func @transform_3(%arg0: i32) -> (i32, i32) {
    %c0_i32 = arith.constant 0 : i32
    %c0_i32_0 = arith.constant 0 : i32
    %c0_i32_1 = arith.constant 0 : i32
    return %c0_i32, %c0_i32_0 : i32, i32
  }
  func.func @transform_4(%arg0: i32) -> (i32, i32) {
    %c0_i32 = arith.constant 0 : i32
    %c0_i32_0 = arith.constant 0 : i32
    %c0_i32_1 = arith.constant 0 : i32
    return %c0_i32, %c0_i32_0 : i32, i32
  }
  func.func @transform_5(%arg0: i32) -> (i32, i32) {
    %c0_i32 = arith.constant 0 : i32
    %c0_i32_0 = arith.constant 0 : i32
    %c0_i32_1 = arith.constant 0 : i32
    return %c0_i32, %c0_i32_0 : i32, i32
  }
  func.func @transform_6(%arg0: i32) -> (i32, i32) {
    %c0_i32 = arith.constant 0 : i32
    %c0_i32_0 = arith.constant 0 : i32
    %c0_i32_1 = arith.constant 0 : i32
    return %c0_i32, %c0_i32_0 : i32, i32
  }
  func.func @transform_7(%arg0: i32) -> (i32, i32) {
    %c0_i32 = arith.constant 0 : i32
    %c0_i32_0 = arith.constant 0 : i32
    %c0_i32_1 = arith.constant 0 : i32
    return %c0_i32, %c0_i32_0 : i32, i32
  }
  func.func @transform_8(%arg0: i32) -> (i32, i32) {
    %c0_i32 = arith.constant 0 : i32
    %c0_i32_0 = arith.constant 0 : i32
    %c0_i32_1 = arith.constant 0 : i32
    return %c0_i32, %c0_i32_0 : i32, i32
  }
  func.func @transform_9(%arg0: i32) -> (i32, i32) {
    %c0_i32 = arith.constant 0 : i32
    %c0_i32_0 = arith.constant 0 : i32
    return %arg0, %c0_i32 : i32, i32
  }
  func.func @transform_10(%arg0: i32) -> (i32, i32) {
    %c0_i32 = arith.constant 0 : i32
    %c0_i32_0 = arith.constant 0 : i32
    return %arg0, %c0_i32 : i32, i32
  }
}

module attributes {stable_mosaic.version = 14 : i64} {
  func.func @_proj_body(%arg0: memref<10000x128xf32, #tpu.memory_space<vmem>>, %arg1: memref<3x128x128xf32, #tpu.memory_space<vmem>>, %arg2: memref<10000x128xf32, #tpu.memory_space<vmem>>, %arg3: memref<10000x128xf32, #tpu.memory_space<vmem>>, %arg4: memref<10000x128xf32, #tpu.memory_space<vmem>>) attributes {dimension_semantics = [], scalar_prefetch = 0 : i64, scratch_operands = 0 : i64, tpu.core_type = #tpu.core_type<tc>} {
    %get3A = arith.constant 0 : index
    %get3A_0 = arith.constant 0 : index
    %get3A_1 = vector.load %arg0[%get3A, %get3A_0] : memref<10000x128xf32, #tpu.memory_space<vmem>>, vector<10000x128xf32>
    %get3A_2 = arith.constant 0 : index
    %get3A_3 = arith.constant 0 : index
    %get3A_4 = arith.constant 0 : index
    %get3A_5 = vector.load %arg1[%get3A_2, %get3A_3, %get3A_4] : memref<3x128x128xf32, #tpu.memory_space<vmem>>, vector<1x128x128xf32>
    %get3A_6 = vector.shape_cast %get3A_5 : vector<1x128x128xf32> to vector<128x128xf32>
    %dot_general3A = arith.constant dense<0.000000e+00> : vector<10000x128xf32>
    %dot_general3A_7 = tpu.matmul %get3A_1, %get3A_6, %dot_general3A {dimension_numbers = #tpu.dot_dimension_numbers<[1], [0], [0], [1], [0, 0, 1, 1], [], []>, transpose_lhs_hint = false} : vector<10000x128xf32>, vector<128x128xf32>, vector<10000x128xf32> -> vector<10000x128xf32>
    %swap3A = arith.constant 0 : index
    %swap3A_8 = arith.constant 0 : index
    %swap3A_9 = vector.load %arg2[%swap3A, %swap3A_8] : memref<10000x128xf32, #tpu.memory_space<vmem>>, vector<10000x128xf32>
    tpu.vector_store %arg2[%swap3A, %swap3A_8], %dot_general3A_7 {strides = array<i32>} : memref<10000x128xf32, #tpu.memory_space<vmem>>, vector<10000x128xf32>,
    %get3A_10 = arith.constant 1 : index
    %get3A_11 = arith.constant 0 : index
    %get3A_12 = arith.constant 0 : index
    %get3A_13 = vector.load %arg1[%get3A_10, %get3A_11, %get3A_12] : memref<3x128x128xf32, #tpu.memory_space<vmem>>, vector<1x128x128xf32>
    %get3A_14 = vector.shape_cast %get3A_13 : vector<1x128x128xf32> to vector<128x128xf32>
    %dot_general3A_15 = arith.constant dense<0.000000e+00> : vector<10000x128xf32>
    %dot_general3A_16 = tpu.matmul %get3A_1, %get3A_14, %dot_general3A_15 {dimension_numbers = #tpu.dot_dimension_numbers<[1], [0], [0], [1], [0, 0, 1, 1], [], []>, transpose_lhs_hint = false} : vector<10000x128xf32>, vector<128x128xf32>, vector<10000x128xf32> -> vector<10000x128xf32>
    %swap3A_17 = arith.constant 0 : index
    %swap3A_18 = arith.constant 0 : index
    %swap3A_19 = vector.load %arg3[%swap3A_17, %swap3A_18] : memref<10000x128xf32, #tpu.memory_space<vmem>>, vector<10000x128xf32>
    tpu.vector_store %arg3[%swap3A_17, %swap3A_18], %dot_general3A_16 {strides = array<i32>} : memref<10000x128xf32, #tpu.memory_space<vmem>>, vector<10000x128xf32>,
    %get3A_20 = arith.constant 2 : index
    %get3A_21 = arith.constant 0 : index
    %get3A_22 = arith.constant 0 : index
    %get3A_23 = vector.load %arg1[%get3A_20, %get3A_21, %get3A_22] : memref<3x128x128xf32, #tpu.memory_space<vmem>>, vector<1x128x128xf32>
    %get3A_24 = vector.shape_cast %get3A_23 : vector<1x128x128xf32> to vector<128x128xf32>
    %dot_general3A_25 = arith.constant dense<0.000000e+00> : vector<10000x128xf32>
    %dot_general3A_26 = tpu.matmul %get3A_1, %get3A_24, %dot_general3A_25 {dimension_numbers = #tpu.dot_dimension_numbers<[1], [0], [0], [1], [0, 0, 1, 1], [], []>, transpose_lhs_hint = false} : vector<10000x128xf32>, vector<128x128xf32>, vector<10000x128xf32> -> vector<10000x128xf32>
    %swap3A_27 = arith.constant 0 : index
    %swap3A_28 = arith.constant 0 : index
    %swap3A_29 = vector.load %arg4[%swap3A_27, %swap3A_28] : memref<10000x128xf32, #tpu.memory_space<vmem>>, vector<10000x128xf32>
    tpu.vector_store %arg4[%swap3A_27, %swap3A_28], %dot_general3A_26 {strides = array<i32>} : memref<10000x128xf32, #tpu.memory_space<vmem>>, vector<10000x128xf32>,
    return
  }
}

module attributes {stable_mosaic.version = 14 : i64} {
  func.func @_node_body(%arg0: i32, %arg1: memref<2000x128xf32, #tpu.memory_space<vmem>>, %arg2: memref<2000x128xf32, #tpu.memory_space<vmem>>, %arg3: memref<2x2000x128xf32, #tpu.memory_space<vmem>>, %arg4: memref<128x128xf32, #tpu.memory_space<vmem>>, %arg5: memref<128x128xf32, #tpu.memory_space<vmem>>, %arg6: memref<1x128xf32, #tpu.memory_space<vmem>>, %arg7: memref<1x128xf32, #tpu.memory_space<vmem>>, %arg8: memref<1x128xf32, #tpu.memory_space<vmem>>, %arg9: memref<1x128xf32, #tpu.memory_space<vmem>>, %arg10: memref<2000x128xf32, #tpu.memory_space<vmem>>) attributes {dimension_semantics = [#tpu.dimension_semantics<arbitrary>], iteration_bounds = array<i64: 5>, scalar_prefetch = 0 : i64, scratch_operands = 0 : i64, tpu.core_type = #tpu.core_type<tc>, window_params = [{transform_indices = @transform_0, window_bounds = array<i64: 2000, 128>}, {transform_indices = @transform_1, window_bounds = array<i64: 2000, 128>}, {transform_indices = @transform_2, window_bounds = array<i64: 2, 2000, 128>}, {pipeline_mode = #tpu.pipeline_mode<synchronous>, transform_indices = @transform_3, window_bounds = array<i64: 128, 128>}, {pipeline_mode = #tpu.pipeline_mode<synchronous>, transform_indices = @transform_4, window_bounds = array<i64: 128, 128>}, {pipeline_mode = #tpu.pipeline_mode<synchronous>, transform_indices = @transform_5, window_bounds = array<i64: 1, 128>}, {pipeline_mode = #tpu.pipeline_mode<synchronous>, transform_indices = @transform_6, window_bounds = array<i64: 1, 128>}, {pipeline_mode = #tpu.pipeline_mode<synchronous>, transform_indices = @transform_7, window_bounds = array<i64: 1, 128>}, {pipeline_mode = #tpu.pipeline_mode<synchronous>, transform_indices = @transform_8, window_bounds = array<i64: 1, 128>}, {transform_indices = @transform_9, window_bounds = array<i64: 2000, 128>}]} {
    %get3A = arith.constant 0 : index
    %get3A_0 = arith.constant 0 : index
    %get3A_1 = arith.constant 0 : index
    %get3A_2 = vector.load %arg3[%get3A, %get3A_0, %get3A_1] : memref<2x2000x128xf32, #tpu.memory_space<vmem>>, vector<1x2000x128xf32>
    %get3A_3 = vector.shape_cast %get3A_2 : vector<1x2000x128xf32> to vector<2000x128xf32>
    %get3A_4 = arith.constant 1 : index
    %get3A_5 = arith.constant 0 : index
    %get3A_6 = arith.constant 0 : index
    %get3A_7 = vector.load %arg3[%get3A_4, %get3A_5, %get3A_6] : memref<2x2000x128xf32, #tpu.memory_space<vmem>>, vector<1x2000x128xf32>
    %get3A_8 = vector.shape_cast %get3A_7 : vector<1x2000x128xf32> to vector<2000x128xf32>
    %add3A = arith.addf %get3A_3, %get3A_8 : vector<2000x128xf32>
    %get3A_9 = arith.constant 0 : index
    %get3A_10 = arith.constant 0 : index
    %get3A_11 = vector.load %arg2[%get3A_9, %get3A_10] : memref<2000x128xf32, #tpu.memory_space<vmem>>, vector<2000x128xf32>
    %get3A_12 = arith.constant 0 : index
    %get3A_13 = arith.constant 0 : index
    %get3A_14 = vector.load %arg4[%get3A_12, %get3A_13] : memref<128x128xf32, #tpu.memory_space<vmem>>, vector<128x128xf32>
    %dot_general3A = arith.constant dense<0.000000e+00> : vector<2000x128xf32>
    %dot_general3A_15 = tpu.matmul %add3A, %get3A_14, %dot_general3A {dimension_numbers = #tpu.dot_dimension_numbers<[1], [0], [0], [1], [0, 0, 1, 1], [], []>, transpose_lhs_hint = false} : vector<2000x128xf32>, vector<128x128xf32>, vector<2000x128xf32> -> vector<2000x128xf32>
    %add3A_16 = arith.addf %get3A_11, %dot_general3A_15 : vector<2000x128xf32>
    %get3A_17 = arith.constant 0 : index
    %get3A_18 = arith.constant 0 : index
    %get3A_19 = vector.load %arg6[%get3A_17, %get3A_18] : memref<1x128xf32, #tpu.memory_space<vmem>>, vector<1x128xf32>
    %add3A_20 = vector.broadcast %get3A_19 : vector<1x128xf32> to vector<2000x128xf32>
    %add3A_21 = arith.addf %add3A_16, %add3A_20 : vector<2000x128xf32>
    %max3A = arith.constant 0.000000e+00 : f32
    %max3A_22 = vector.broadcast %max3A : f32 to vector<2000x128xf32>
    %max3A_23 = arith.maximumf %add3A_21, %max3A_22 : vector<2000x128xf32>
    %get3A_24 = arith.constant 0 : index
    %get3A_25 = arith.constant 0 : index
    %get3A_26 = vector.load %arg5[%get3A_24, %get3A_25] : memref<128x128xf32, #tpu.memory_space<vmem>>, vector<128x128xf32>
    %dot_general3A_27 = arith.constant dense<0.000000e+00> : vector<2000x128xf32>
    %dot_general3A_28 = tpu.matmul %max3A_23, %get3A_26, %dot_general3A_27 {dimension_numbers = #tpu.dot_dimension_numbers<[1], [0], [0], [1], [0, 0, 1, 1], [], []>, transpose_lhs_hint = false} : vector<2000x128xf32>, vector<128x128xf32>, vector<2000x128xf32> -> vector<2000x128xf32>
    %get3A_29 = arith.constant 0 : index
    %get3A_30 = arith.constant 0 : index
    %get3A_31 = vector.load %arg7[%get3A_29, %get3A_30] : memref<1x128xf32, #tpu.memory_space<vmem>>, vector<1x128xf32>
    %add3A_32 = vector.broadcast %get3A_31 : vector<1x128xf32> to vector<2000x128xf32>
    %add3A_33 = arith.addf %dot_general3A_28, %add3A_32 : vector<2000x128xf32>
    %get3A_34 = arith.constant 0 : index
    %get3A_35 = arith.constant 0 : index
    %get3A_36 = vector.load %arg8[%get3A_34, %get3A_35] : memref<1x128xf32, #tpu.memory_space<vmem>>, vector<1x128xf32>
    %get3A_37 = arith.constant 0 : index
    %get3A_38 = arith.constant 0 : index
    %get3A_39 = vector.load %arg9[%get3A_37, %get3A_38] : memref<1x128xf32, #tpu.memory_space<vmem>>, vector<1x128xf32>
    %reduce_sum3A = arith.constant dense<0.000000e+00> : vector<2000xf32>
    %reduce_sum3A_40 = vector.multi_reduction <add>, %add3A_33, %reduce_sum3A [1] : vector<2000x128xf32> to vector<2000xf32>
    %broadcast_in_dim3A = vector.shape_cast %reduce_sum3A_40 : vector<2000xf32> to vector<2000x1xf32>
    %div3A = arith.constant 1.280000e+02 : f32
    %div3A_41 = vector.broadcast %div3A : f32 to vector<2000x1xf32>
    %div3A_42 = arith.divf %broadcast_in_dim3A, %div3A_41 : vector<2000x1xf32>
    %sub3A = vector.broadcast %div3A_42 : vector<2000x1xf32> to vector<2000x128xf32>
    %sub3A_43 = arith.subf %add3A_33, %sub3A : vector<2000x128xf32>
    %integer_pow3A = arith.mulf %sub3A_43, %sub3A_43 : vector<2000x128xf32>
    %reduce_sum3A_44 = arith.constant dense<0.000000e+00> : vector<2000xf32>
    %reduce_sum3A_45 = vector.multi_reduction <add>, %integer_pow3A, %reduce_sum3A_44 [1] : vector<2000x128xf32> to vector<2000xf32>
    %broadcast_in_dim3A_46 = vector.shape_cast %reduce_sum3A_45 : vector<2000xf32> to vector<2000x1xf32>
    %div3A_47 = arith.constant 1.280000e+02 : f32
    %div3A_48 = vector.broadcast %div3A_47 : f32 to vector<2000x1xf32>
    %div3A_49 = arith.divf %broadcast_in_dim3A_46, %div3A_48 : vector<2000x1xf32>
    %sub3A_50 = vector.broadcast %div3A_42 : vector<2000x1xf32> to vector<2000x128xf32>
    %sub3A_51 = arith.subf %add3A_33, %sub3A_50 : vector<2000x128xf32>
    %add3A_52 = arith.constant 9.99999974E-6 : f32
    %add3A_53 = vector.broadcast %add3A_52 : f32 to vector<2000x1xf32>
    %add3A_54 = arith.addf %div3A_49, %add3A_53 : vector<2000x1xf32>
    %rsqrt3A = math.rsqrt %add3A_54 : vector<2000x1xf32>
    %mul3A = vector.broadcast %rsqrt3A : vector<2000x1xf32> to vector<2000x128xf32>
    %mul3A_55 = arith.mulf %sub3A_51, %mul3A : vector<2000x128xf32>
    %mul3A_56 = vector.broadcast %get3A_36 : vector<1x128xf32> to vector<2000x128xf32>
    %mul3A_57 = arith.mulf %mul3A_55, %mul3A_56 : vector<2000x128xf32>
    %add3A_58 = vector.broadcast %get3A_39 : vector<1x128xf32> to vector<2000x128xf32>
    %add3A_59 = arith.addf %mul3A_57, %add3A_58 : vector<2000x128xf32>
    %get3A_60 = arith.constant 0 : index
    %get3A_61 = arith.constant 0 : index
    %get3A_62 = vector.load %arg1[%get3A_60, %get3A_61] : memref<2000x128xf32, #tpu.memory_space<vmem>>, vector<2000x128xf32>
    %add3A_63 = arith.addf %add3A_59, %get3A_62 : vector<2000x128xf32>
    %swap3A = arith.constant 0 : index
    %swap3A_64 = arith.constant 0 : index
    %swap3A_65 = vector.load %arg10[%swap3A, %swap3A_64] : memref<2000x128xf32, #tpu.memory_space<vmem>>, vector<2000x128xf32>
    tpu.vector_store %arg10[%swap3A, %swap3A_64], %add3A_63 {strides = array<i32>} : memref<2000x128xf32, #tpu.memory_space<vmem>>, vector<2000x128xf32>,
    return
  }
  func.func @transform_0(%arg0: i32) -> (i32, i32) {
    %c0_i32 = arith.constant 0 : i32
    %c0_i32_0 = arith.constant 0 : i32
    return %arg0, %c0_i32 : i32, i32
  }
  func.func @transform_1(%arg0: i32) -> (i32, i32) {
    %c0_i32 = arith.constant 0 : i32
    %c0_i32_0 = arith.constant 0 : i32
    return %arg0, %c0_i32 : i32, i32
  }
  func.func @transform_2(%arg0: i32) -> (i32, i32, i32) {
    %c0_i32 = arith.constant 0 : i32
    %c0_i32_0 = arith.constant 0 : i32
    %c0_i32_1 = arith.constant 0 : i32
    return %c0_i32, %arg0, %c0_i32_0 : i32, i32, i32
  }
  func.func @transform_3(%arg0: i32) -> (i32, i32) {
    %c0_i32 = arith.constant 0 : i32
    %c0_i32_0 = arith.constant 0 : i32
    %c0_i32_1 = arith.constant 0 : i32
    return %c0_i32, %c0_i32_0 : i32, i32
  }
  func.func @transform_4(%arg0: i32) -> (i32, i32) {
    %c0_i32 = arith.constant 0 : i32
    %c0_i32_0 = arith.constant 0 : i32
    %c0_i32_1 = arith.constant 0 : i32
    return %c0_i32, %c0_i32_0 : i32, i32
  }
  func.func @transform_5(%arg0: i32) -> (i32, i32) {
    %c0_i32 = arith.constant 0 : i32
    %c0_i32_0 = arith.constant 0 : i32
    %c0_i32_1 = arith.constant 0 : i32
    return %c0_i32, %c0_i32_0 : i32, i32
  }
  func.func @transform_6(%arg0: i32) -> (i32, i32) {
    %c0_i32 = arith.constant 0 : i32
    %c0_i32_0 = arith.constant 0 : i32
    %c0_i32_1 = arith.constant 0 : i32
    return %c0_i32, %c0_i32_0 : i32, i32
  }
  func.func @transform_7(%arg0: i32) -> (i32, i32) {
    %c0_i32 = arith.constant 0 : i32
    %c0_i32_0 = arith.constant 0 : i32
    %c0_i32_1 = arith.constant 0 : i32
    return %c0_i32, %c0_i32_0 : i32, i32
  }
  func.func @transform_8(%arg0: i32) -> (i32, i32) {
    %c0_i32 = arith.constant 0 : i32
    %c0_i32_0 = arith.constant 0 : i32
    %c0_i32_1 = arith.constant 0 : i32
    return %c0_i32, %c0_i32_0 : i32, i32
  }
  func.func @transform_9(%arg0: i32) -> (i32, i32) {
    %c0_i32 = arith.constant 0 : i32
    %c0_i32_0 = arith.constant 0 : i32
    return %arg0, %c0_i32 : i32, i32
  }
}

</mosaic_0001>

<sc_bundles>
// kernel: kernel.10.cloned.1.call-start
scs
__scs_entry_jumppad:
0x0: {  	(pc) =	sbr.rel $0x88, $3  }
0x1: {  	(tag) =	ssettag $0x0;
	lr =	simm.s32 $0x1  }
0x2: {  	[smem:$0x3F91] =	sst lr;
	_ =	strace $0xD0000000  }
0x3: {  	_ = 	snop  }
0x4: {  	_ = 	snop  }
0x5: {  	_ = 	snop  }
0x6: {  	_ = 	snop  }
0x7: {  	_ = 	snop  }
__scs_overlays_trampoline_lowered:
0x8: {  	[smem:$0x3FA0] =	sst s0  }
0x9: {  	[smem:$0x3FA1] =	sst s1  }
0xa: {  	[smem:$0x3FA2] =	sst s2  }
0xb: {  	[smem:$0x3FA3] =	sst s3  }
0xc: {  	[smem:$0x3FA4] =	sst s4  }
0xd: {  	[smem:$0x3FA5] =	sst s5  }
0xe: {  	[smem:$0x3FA6] =	sst s6  }
0xf: {  	[smem:$0x3FA7] =	sst s7  }
0x10: {  	[smem:$0x3FA8] =	sst s8  }
0x11: {  	[smem:$0x3FA9] =	sst s9;
	s0 =	simm.s32 @!p0 $0x0  }
0x12: {  	s1 =	sld [smem:$0x3F8F];
	s0 =	simm.s32 @p0 $0x1  }
0x13: {  	[smem:$0x3FAA] =	sst s0;
	s0 =	simm.s32 @!p1 $0x0  }
0x14: {  	s2 =	sld [smem:$0x3F8E];
	s0 =	simm.s32 @p1 $0x1  }
0x15: {  	[smem:$0x3FAB] =	sst s0;
	s0 =	simm.s32 @!p2 $0x0  }
0x16: {  	s3 =	sld [smem:$0x3FDB];
	s0 =	simm.s32 @p2 $0x1  }
0x17: {  	s4 =	simm.s32 $0x1BF5;
	[smem:$0x3FAD] =	sst s0  }
0x18: {  	s0 =	sld [smem:$0x3F90];
	_ =	swait.ge [sflag:s4], $0x0  }
0x19: {  	s7 =	sld [smem:$0x3F91]  }
0x1a: {  	s8 =	sadd.s32 $0xFFFFE003, lr  }
0x1b: {  	s9 =	sadd.s32 $0xFFFFFEF7, lr;
	s5 =	simm.s32 $0xFFFFFFFF;
	p2 =	slt.u32 s8, $0xFFFFF086  }
0x1c: {  	p1 =	slt.u32 s9, $0xF7A;
	s5 =	simm.s32 @!p2 $0x0  }
0x1d: {  	s5 =	simm.s32 @p1 $0x1;
	p0 =	seq.s32 s7, s2  }
0x1e: {  	s7 =	smul.u32 @!p0 $0xF7A, s2;
	p2 =	seq.s32 @!p0 s5, $0x0  }
0x1f: {  	s9 =	smul.u32 $0xF7A, s1;
	s8 =	simm.s32 @!p0 $0x1BF5;
	p2 =	por !p2, p0  }
0x20: {  	[sflag:s8] =	ssyncset.s32 @!p0 $0xFFFFF086;
	s6 =	sadd.s32 @!p0 s3, s7;
	s7 =	simm.s32 @!p0 $0x108  }
0x21: {  	s3 =	sadd.s32 s3, s9;
	s6 =	sadd.s32 @!p0 $0x88, s6;
	s7 =	simm.s32 @p2 $0x1082  }
0x22: {  	[simem:s7], [sflag:s8] =	dma.local @!p0 [hbm:s6], $0xF7A  }
0x23: {  	s9 =	sor.u32 $0xD0000000, s2;
	s6 =	simm.s32 $0x108;
	_ =	swait.ge @!p0 [sflag:s8], $0x0  }
0x24: {  	s3 =	sadd.s32 $0x88, s3;
	s6 =	simm.s32 @!p1 $0x1082;
	[sflag:s4] =	ssyncset.s32 $0xFFFFF086  }
0x25: {  	[simem:s6], [sflag:s4] =	dma.local [hbm:s3], $0xF7A  }
0x26: {  	[smem:$0x3F91] =	sst s1;
	(tag) =	ssettag s2;
	_ =	strace s9  }
0x27: {  	s1 =	sld [smem:$0x3FA1]  }
0x28: {  	s2 =	sld [smem:$0x3FA2]  }
0x29: {  	s4 =	sld [smem:$0x3FA4]  }
0x2a: {  	p0 =	seq.s32 s5, $0x0;
	s5 =	sld [smem:$0x3FA5]  }
0x2b: {  	s6 =	sld [smem:$0x3FA6]  }
0x2c: {  	s7 =	sld [smem:$0x3FA7]  }
0x2d: {  	s3 =	simm.s32 $0x108;
	s8 =	sld [smem:$0x3FA8]  }
0x2e: {  	s3 =	simm.s32 @!p0 $0x1082;
	s9 =	sld [smem:$0x3FA9]  }
0x2f: {  	lr =	sadd.s32 s0, s3;
	s0 =	sld [smem:$0x3FA0]  }
0x30: {  	s3 =	sld [smem:$0x3FA3]  }
0x31: {  	[smem:$0x3FAC] =	sst s10  }
0x32: {  	s10 =	sld [smem:$0x3FAA];
	_ =	sdelay $0x3  }
0x33: {  	p0 =	seq.s32 s10, $0x1;
	s10 =	sld [smem:$0x3FAC];
	_ =	sdelay $0x3  }
0x34: {  	[smem:$0x3FAC] =	sst s10  }
0x35: {  	s10 =	sld [smem:$0x3FAB];
	_ =	sdelay $0x3  }
0x36: {  	p1 =	seq.s32 s10, $0x1;
	s10 =	sld [smem:$0x3FAC];
	_ =	sdelay $0x3  }
0x37: {  	[smem:$0x3FAC] =	sst s10  }
0x38: {  	s10 =	sld [smem:$0x3FAD]  }
0x39: {  	_ = 	snop;
	(pc) =	sbr.ind lr, $3  }
0x3a: {  	_ = 	snop  }
0x3b: {  	_ = 	snop  }
0x3c: {  	p2 =	seq.s32 s10, $0x1;
	s10 =	sld [smem:$0x3FAC]  }
0x3d: {  	_ =	shalt  }
0x3e: {  	_ =	shalt  }
0x3f: {  	_ =	shalt  }
0x40: {  	_ =	shalt  }
0x41: {  	_ =	shalt  }
0x42: {  	_ =	shalt  }
0x43: {  	_ =	shalt  }
0x44: {  	_ =	shalt  }
0x45: {  	_ =	shalt  }
0x46: {  	_ =	shalt  }
0x47: {  	_ =	shalt  }
0x48: {  	_ =	shalt  }
0x49: {  	_ =	shalt  }
0x4a: {  	_ =	shalt  }
0x4b: {  	_ =	shalt  }
0x4c: {  	_ =	shalt  }
0x4d: {  	_ =	shalt  }
0x4e: {  	_ =	shalt  }
0x4f: {  	_ =	shalt  }
0x50: {  	_ =	shalt  }
0x51: {  	_ =	shalt  }
0x52: {  	_ =	shalt  }
0x53: {  	_ =	shalt  }
0x54: {  	_ =	shalt  }
0x55: {  	_ =	shalt  }
0x56: {  	_ =	shalt  }
0x57: {  	_ =	shalt  }
0x58: {  	_ =	shalt  }
0x59: {  	_ =	shalt  }
0x5a: {  	_ =	shalt  }
0x5b: {  	_ =	shalt  }
0x5c: {  	_ =	shalt  }
0x5d: {  	_ =	shalt  }
0x5e: {  	_ =	shalt  }
0x5f: {  	_ =	shalt  }
0x60: {  	_ =	shalt  }
0x61: {  	_ =	shalt  }
0x62: {  	_ =	shalt  }
0x63: {  	_ =	shalt  }
0x64: {  	_ =	shalt  }
0x65: {  	_ =	shalt  }
0x66: {  	_ =	shalt  }
0x67: {  	_ =	shalt  }
0x68: {  	_ =	shalt  }
0x69: {  	_ =	shalt  }
0x6a: {  	_ =	shalt  }
0x6b: {  	_ =	shalt  }
0x6c: {  	_ =	shalt  }
0x6d: {  	_ =	shalt  }
0x6e: {  	_ =	shalt  }
0x6f: {  	_ =	shalt  }
0x70: {  	_ =	shalt  }
0x71: {  	_ =	shalt  }
0x72: {  	_ =	shalt  }
0x73: {  	_ =	shalt  }
0x74: {  	_ =	shalt  }
0x75: {  	_ =	shalt  }
0x76: {  	_ =	shalt  }
0x77: {  	_ =	shalt  }
0x78: {  	_ =	shalt  }
0x79: {  	_ =	shalt  }
0x7a: {  	_ =	shalt  }
0x7b: {  	_ =	shalt  }
0x7c: {  	_ =	shalt  }
0x7d: {  	_ =	shalt  }
0x7e: {  	_ =	shalt  }
0x7f: {  	_ =	shalt  }
0x80: {  	_ =	shalt  }
0x81: {  	_ =	shalt  }
0x82: {  	_ =	shalt  }
0x83: {  	_ =	shalt  }
0x84: {  	_ =	shalt  }
0x85: {  	_ =	shalt  }
0x86: {  	_ =	shalt  }
0x87: {  	_ =	shalt  }
.Lfunc_end0:
.L_simem_size_0:
called_computation.1_lowered:
.L_overlay_start_0:
0x88: {  	s2 =	sld [smem:$0x3FD9]  }
0x89: {  	s3 =	sld [smem:$0x3FFE];
	_ =	sdelay $0x1  }
0x8a: {  	s1 =	srdreg.scid  }
0x8b: {  	s0 =	sand.u32 $0x1, s1  }
0x8c: {  	s17 =	sshll.u32 s0, $0xA;
	s2 =	sadd.s32 s3, s2  }
0x8d: {  	s2 =	sadd.s32 s2, s17  }
0x8e: {  	[smem:$0x3FB8] =	sst s2  }
0x8f: {  	_ = 	snop  }
0x90: {  	s2 =	sld [smem:$0x3FC6];
	(tm) =	ssettm $0x1  }
0x91: {  	s18 =	sld [smem:$0x3FFB];
	_ =	sdelay $0x3  }
0x92: {  	_ =	strace s18  }
0x93: {  	s3 =	sld [smem:$0x3FFC];
	_ =	sdelay $0x3  }
0x94: {  	_ =	strace s3  }
0x95: {  	s3 =	sld [smem:$0x3FFD];
	_ =	sdelay $0x3  }
0x96: {  	_ =	strace s3  }
0x97: {  	_ =	strace $0x8FFFFFFF  }
0x98: {  	s19 =	sld [smem:$0x3FDB];
	_ =	sdelay $0x1  }
0x99: {  	s4 =	simm.s32 $_scs_section_size  }
0x9a: {  	s5 =	simm.s32 $_size__tile_overlayer_lowered;
	s6 =	simm.s32 $_tile_overlayer_lowered  }
0x9b: {  	s22 =	simm.s32 $0x1BFF;
	s21 =	sshll.u32 s6, $0x1;
	s3 =	sadd.s32 s4, s19  }
0x9c: {  	s7 =	simm.s32 $0x0;
	s20 =	sshll.u32 s5, $0x1;
	s5 =	sadd.s32 s21, s3  }
0x9d: {  	[timem:s7], [sflag:s22] =	dma.local [hbm:s5], s20  }
0x9e: {  	_ =	swait.ge [sflag:s22], s20  }
0x9f: {  	s4 =	ssub.s32 $0x0, s20;
	[sflag:s22] =	ssyncset.done $0x0  }
0xa0: {  	[sflag:s22] =	ssyncadd.s32 s4;
	_ =	sdelay $0x1  }
0xa1: {  	s23 =	simm.s32 $0x1B8B  }
0xa2: {  	_ =	swait.ge [sflag:s23], $0x1  }
0xa3: {  	[sflag:s23] =	ssyncset.done $0x0  }
0xa4: {  	s25 =	simm.s32 $0x1B8E;
	s24 =	sld [smem:$0x3FFE];
	[sflag:s23] =	ssyncadd.s32 $0xFFFFFFFF  }
0xa5: {  	s26 =	simm.s32 $execute0_lowered;
	[smem:$0x3FD2] =	sst s25  }
0xa6: {  	s5 =	sshll.u32 s26, $0x1;
	_ =	strace $0x80000049;
	[dreg:$0x1] =	wrdreg $0xFFFFFFFF  }
0xa7: {  	s28 =	simm.s32 $_size_execute0_lowered;
	s3 =	sadd.s32 s3, s5;
	[dreg:$0x0] =	wrdreg $0x0  }
0xa8: {  	s5 =	sshll.u32 s28, $0x1;
	[dreg:$0x2] =	wrdreg s3  }
0xa9: {  	[dreg:$0x3] =	wrdreg s5  }
0xaa: {  	[dreg:$0x4] =	wrdreg $0xC0  }
0xab: {  	_ =	task [dreg:s7], $0x5FFFF  }
0xac: {  	[dreg:$0x1] =	wrdreg $0xFFFFFFFF  }
0xad: {  	[dreg:$0x0] =	wrdreg $0x60  }
0xae: {  	[dreg:$0x2] =	wrdreg s24  }
0xaf: {  	[dreg:$0x3] =	wrdreg s2  }
0xb0: {  	[dreg:$0x4] =	wrdreg $0x28800  }
0xb1: {  	[dreg:$0x5] =	wrdreg $0x9  }
0xb2: {  	_ =	task.clear_ibuf [dreg:s7], $0x6FFFF;
	_ =	strace $0x90000049  }
0xb3: {  	s29 =	simm.s32 $0x9;
	_ =	strace $0x8000004B  }
0xb4: {  	_ =	swait.ge [sflag:s29], $0x1  }
0xb5: {  	[sflag:s29] =	ssyncadd.s32 $0xFFFFFFFF  }
0xb6: {  	_ =	strace $0x9000004B  }
0xb7: {  	_ =	sfence  }
0xb8: {  	s30 =	sld [smem:$0x0];
	_ =	sdelay $0x2  }
0xb9: {  	s31 =	sshll.u32 s1, $0xD;
	s1 =	sshrl.u32 s1, $0x2  }
0xba: {  	s3 =	sand.u32 $0x4000, s31;
	s1 =	sadd.s32 s1, s30  }
0xbb: {  	s0 =	sor.u32 s3, s0;
	s1 =	sshll.u32 s1, $0x11  }
0xbc: {  	s0 =	sor.u32 s1, s0  }
0xbd: {  	s0 =	sadd.s32 $0x8F2B, s0  }
0xbe: {  	[sflag:s0] =	ssyncadd.remote.s32 $0x1  }
0xbf: {  	_ =	sfence.sel $0xFFFF  }
0xc0: {  	[dreg:$0x0] =	wrdreg $0xFFFFFFFF;
	(pc) =	sbr.abs _section_cstart, $3  }
0xc1: {  	[dreg:$0x1] =	wrdreg $0xFFFFFFFF  }
0xc2: {  	_ =	task.clear_ibuf [dreg:s7], $0x2FFFF;
	_ =	strace $0x9FFFFFFF  }
0xc3: {  	(tm) =	ssettm $0x7FFFFFFF  }
tec
execute0_lowered:
.L_overlay_start_1:
0x0: {  	(tag) =	ssettag $0x1  }
0x1: {  	s4 =	rddreg [dreg:$0x0]  }
0x2: {  	s9 =	rddreg [dreg:$0x1];
	s1 =	stileid.u32  }
0x3: {  	s2 =	rddreg [dreg:$0x2];
	s5 =	smul.u32 $0x4E200, s1  }
0x4: {  	s0 =	rddreg [dreg:$0x3];
	s7 =	smul.u32 $0x2800, s1  }
0x5: {  	s6 =	srdreg.scid;
	s12 =	smul.u32 $0x50000, s1  }
0x6: {  	s3 =	simm.s32 $0x0;
	s6 =	sand.u32 $0x1, s6;
	s26 =	smul.u32 $0x4E20, s1  }
0x7: {  	[smem:$0x7FF] =	sst s3;
	s24 =	smul.u32 $0x28000, s6  }
0x8: {  	s29 =	sshll.u32 s1, $0x6;
	_ =	strace $0x8000004A;
	s13 =	smul.u32 $0x27100, s6  }
0x9: {  	s11 =	ssub.s32 $0x2, s6;
	s30 =	smul.u32 $0x2710, s6;
	s8 =	sadd.s32 s5, s4  }
0xa: {  	s10 =	sadd.s32 s7, s4;
	s25 =	sshrl.u32 s11, $0x1;
	s28 =	sshrl.u32 s12, $0x2  }
0xb: {  	s12 =	simm.s32 $0x80;
	s5 =	sadd.s32 s7, s24;
	s7 =	ssub.s32 s11, s25  }
0xc: {  	s15 =	sadd.s32 s28, s2;
	s8 =	sadd.s32 s13, s8;
	s31 =	sadd.s32 s30, s26  }
0xd: {  	s11 =	simm.s32 $0x1;
	s13 =	simm.s32 $0x50;
	s14 =	sadd.s32 s5, s4  }
0xe: {  	s4 =	sadd.s32 $0x3E00, s10;
	s5 =	sor.u32 $0x1C01, s29;
	s7 =	smax.u32 s7, $0x1  }
0xf: {  	s8 =	sadd.s32 $0x9EF000, s8;
	s10 =	sshrl.u32 s31, $0x3;
	s6 =	sadd.s32 $0x2BE00, s14  }
0x10: {  	s9 =	sadd.s32 s10, s9;
	s10 =	sshrl.u32 s15, $0x3;
	s14 =	simm.s32 $0x0  }
.LBB2_1:
0x11: {  	[spmem:s10], [sflag:s5] =	dma.local [hbm:s4], $0x2800  }
0x12: {  	_ =	swait.ge [sflag:s11], $0x2800  }
0x13: {  	[sflag:s11] =	ssyncset.done $0x0  }
0x14: {  	[sflag:s11] =	ssyncadd.s32 $0xFFFFD800  }
0x15: {  	[bflag:$0x0] =	sbarrier.arrive $0xFFFF  }
0x16: {  	[tilespmem:s12], [sflag:$0x1] =	stream.linear.gather [hbm4b:s8+s3], $0x2800, $0x38;
	[tilespmem:$0x16880] =	vst v63  }
0x17: {  	_ =	swait.ge [sflag:s11], $0x2800  }
0x18: {  	[sflag:s11] =	ssyncset.done $0x0  }
0x19: {  	s15 =	sadd.s32 $0x0, s9;
	[sflag:s11] =	ssyncadd.s32 $0xFFFFD800  }
0x1a: {  	[tilespmem:s3], [sflag:$0x1] =	stream.linear.gather [hbm4b:s15+s3], $0x50, $0x38;
	[tilespmem:$0x16880] =	vst v63  }
0x1b: {  	_ =	swait.ge [sflag:s11], $0x50  }
0x1c: {  	[sflag:s11] =	ssyncset.done $0x0  }
0x1d: {  	[sflag:s11] =	ssyncadd.s32 $0xFFFFFFB0  }
0x1e: {  	[spmem:s2] =	stream.indirect.scatter.add.f32 [tilespmem:s12], [sflag:$0x1], $0x80, s3, s13, $0xb8;
	[tilespmem:$0x16880] =	vst v63  }
0x1f: {  	_ =	swait.ge [sflag:s11], $0x2800  }
0x20: {  	s16 =	smov.u32 s8;
	s15 =	simm.s32 $0xA;
	[sflag:s11] =	ssyncset.done $0x0  }
.LBB2_2:
0x21: {  	p0 =	sne.s32 s15, $0x4D8;
	[sflag:s11] =	ssyncadd.s32 $0xFFFFD800;
	s16 =	sadd.s32 $0x500, s16  }
0x22: {  	[tilespmem:s12], [sflag:$0x1] =	stream.linear.gather [hbm4b:s16+s3], $0x2800, $0x38;
	[tilespmem:$0x16880] =	vst v63  }
0x23: {  	s17 =	smov.u32 s15;
	s15 =	sadd.s32 $0xA, s15;
	_ =	swait.ge [sflag:s11], $0x2800  }
0x24: {  	[sflag:s11] =	ssyncset.done $0x0  }
0x25: {  	s17 =	sadd.s32 s17, s9;
	[sflag:s11] =	ssyncadd.s32 $0xFFFFD800  }
0x26: {  	[tilespmem:s3], [sflag:$0x1] =	stream.linear.gather [hbm4b:s17+s3], $0x50, $0x38;
	[tilespmem:$0x16880] =	vst v63  }
0x27: {  	_ =	swait.ge [sflag:s11], $0x50  }
.Ltmp0:
0x28: {  	[sflag:s11] =	ssyncset.done $0x0;
	(pc) =	sbr.rel @p0 .LBB2_2-.Ltmp0, $4  }
0x29: {  	[sflag:s11] =	ssyncadd.s32 $0xFFFFFFB0  }
0x2a: {  	[spmem:s2] =	stream.indirect.scatter.add.f32 [tilespmem:s12], [sflag:$0x1], $0x80, s3, s13, $0xb8;
	[tilespmem:$0x16880] =	vst v63  }
0x2b: {  	_ =	swait.ge [sflag:s11], $0x2800  }
0x2c: {  	[sflag:s11] =	ssyncset.done $0x0  }
0x2d: {  	s14 =	sadd.s32 $0x1, s14  }
0x2e: {  	[sflag:s11] =	ssyncadd.s32 $0xFFFFD800;
	p0 =	sne.s32 s14, s7  }
.Ltmp1:
0x2f: {  	[bflag:$0x0] =	sbarrier.arrive $0xFFFF;
	(pc) =	sbr.rel @p0 .LBB2_1-.Ltmp1, $4  }
0x30: {  	[hbm:s6], [sflag:s5] =	dma.local [spmem:s10], $0x2800  }
0x31: {  	_ =	swait.ge [sflag:s11], $0x2800  }
0x32: {  	[sflag:s11] =	ssyncset.done $0x0  }
0x33: {  	[sflag:s11] =	ssyncadd.s32 $0xFFFFD800  }
0x34: {  	_ =	sfence.sel $0x180000  }
0x35: {  	[bflag:$0x0] =	sbarrier.arrive $0xFFFF  }
0x36: {  	p0 =	sne.s32 s1, $0x0;
	_ =	strace $0x9000004A  }
0x37: {  	s0 =	sadd.s32 @!p0 $0x100000, s0;
	[bflag:$0x2] =	sbarrier.arrive $0xFFFF  }
0x38: {  	[sflag:s0] =	ssyncadd.tile.s32 @!p0 $0x1;
	_ =	shalt  }
.Lfunc_end2:
_tile_overlayer_lowered:
.L_overlay_start_2:
0x39: {  	(tag) =	ssettag $0x2  }
0x3a: {  	s0 =	rddreg [dreg:$0x0];
	s2 =	stileid.u32  }
0x3b: {  	s1 =	rddreg [dreg:$0x1];
	p0 =	sne.s32 s2, $0x0  }
0x3c: {  	s3 =	rddreg [dreg:$0x2];
	[bflag:$0x3] =	sbarrier.arrive $0xFFFF;
	s2 =	simm.s32 @!p0 $0x1C01  }
0x3d: {  	[timem:s3], [sflag:s2] =	dma.local @!p0 [hbm:s0], s1  }
0x3e: {  	s0 =	simm.s32 @!p0 $0x1  }
0x3f: {  	_ =	swait.ge @!p0 [sflag:s0], s1  }
0x40: {  	s1 =	ssub.s32 @!p0 $0x0, s1;
	[sflag:s0] =	ssyncset.done @!p0 $0x0  }
0x41: {  	[sflag:s0] =	ssyncadd.s32 @!p0 s1  }
0x42: {  	[bflag:$0x3] =	sbarrier.arrive $0xFFFF  }
0x43: {  	_ =	shalt  }

// kernel: kernel.7.cloned.1.call-start
scs
__scs_entry_jumppad:
0x0: {  	(pc) =	sbr.rel $0x88, $3  }
0x1: {  	(tag) =	ssettag $0x0;
	lr =	simm.s32 $0x1  }
0x2: {  	[smem:$0x3F91] =	sst lr;
	_ =	strace $0xD0000000  }
0x3: {  	_ = 	snop  }
0x4: {  	_ = 	snop  }
0x5: {  	_ = 	snop  }
0x6: {  	_ = 	snop  }
0x7: {  	_ = 	snop  }
__scs_overlays_trampoline_lowered:
0x8: {  	[smem:$0x3FA0] =	sst s0  }
0x9: {  	[smem:$0x3FA1] =	sst s1  }
0xa: {  	[smem:$0x3FA2] =	sst s2  }
0xb: {  	[smem:$0x3FA3] =	sst s3  }
0xc: {  	[smem:$0x3FA4] =	sst s4  }
0xd: {  	[smem:$0x3FA5] =	sst s5  }
0xe: {  	[smem:$0x3FA6] =	sst s6  }
0xf: {  	[smem:$0x3FA7] =	sst s7  }
0x10: {  	[smem:$0x3FA8] =	sst s8  }
0x11: {  	[smem:$0x3FA9] =	sst s9;
	s0 =	simm.s32 @!p0 $0x0  }
0x12: {  	s1 =	sld [smem:$0x3F8F];
	s0 =	simm.s32 @p0 $0x1  }
0x13: {  	[smem:$0x3FAA] =	sst s0;
	s0 =	simm.s32 @!p1 $0x0  }
0x14: {  	s2 =	sld [smem:$0x3F8E];
	s0 =	simm.s32 @p1 $0x1  }
0x15: {  	[smem:$0x3FAB] =	sst s0;
	s0 =	simm.s32 @!p2 $0x0  }
0x16: {  	s3 =	sld [smem:$0x3FDB];
	s0 =	simm.s32 @p2 $0x1  }
0x17: {  	s4 =	simm.s32 $0x1BF5;
	[smem:$0x3FAD] =	sst s0  }
0x18: {  	s0 =	sld [smem:$0x3F90];
	_ =	swait.ge [sflag:s4], $0x0  }
0x19: {  	s7 =	sld [smem:$0x3F91]  }
0x1a: {  	s8 =	sadd.s32 $0xFFFFE003, lr  }
0x1b: {  	s9 =	sadd.s32 $0xFFFFFEF7, lr;
	s5 =	simm.s32 $0xFFFFFFFF;
	p2 =	slt.u32 s8, $0xFFFFF086  }
0x1c: {  	p1 =	slt.u32 s9, $0xF7A;
	s5 =	simm.s32 @!p2 $0x0  }
0x1d: {  	s5 =	simm.s32 @p1 $0x1;
	p0 =	seq.s32 s7, s2  }
0x1e: {  	s7 =	smul.u32 @!p0 $0xF7A, s2;
	p2 =	seq.s32 @!p0 s5, $0x0  }
0x1f: {  	s9 =	smul.u32 $0xF7A, s1;
	s8 =	simm.s32 @!p0 $0x1BF5;
	p2 =	por !p2, p0  }
0x20: {  	[sflag:s8] =	ssyncset.s32 @!p0 $0xFFFFF086;
	s6 =	sadd.s32 @!p0 s3, s7;
	s7 =	simm.s32 @!p0 $0x108  }
0x21: {  	s3 =	sadd.s32 s3, s9;
	s6 =	sadd.s32 @!p0 $0x88, s6;
	s7 =	simm.s32 @p2 $0x1082  }
0x22: {  	[simem:s7], [sflag:s8] =	dma.local @!p0 [hbm:s6], $0xF7A  }
0x23: {  	s9 =	sor.u32 $0xD0000000, s2;
	s6 =	simm.s32 $0x108;
	_ =	swait.ge @!p0 [sflag:s8], $0x0  }
0x24: {  	s3 =	sadd.s32 $0x88, s3;
	s6 =	simm.s32 @!p1 $0x1082;
	[sflag:s4] =	ssyncset.s32 $0xFFFFF086  }
0x25: {  	[simem:s6], [sflag:s4] =	dma.local [hbm:s3], $0xF7A  }
0x26: {  	[smem:$0x3F91] =	sst s1;
	(tag) =	ssettag s2;
	_ =	strace s9  }
0x27: {  	s1 =	sld [smem:$0x3FA1]  }
0x28: {  	s2 =	sld [smem:$0x3FA2]  }
0x29: {  	s4 =	sld [smem:$0x3FA4]  }
0x2a: {  	p0 =	seq.s32 s5, $0x0;
	s5 =	sld [smem:$0x3FA5]  }
0x2b: {  	s6 =	sld [smem:$0x3FA6]  }
0x2c: {  	s7 =	sld [smem:$0x3FA7]  }
0x2d: {  	s3 =	simm.s32 $0x108;
	s8 =	sld [smem:$0x3FA8]  }
0x2e: {  	s3 =	simm.s32 @!p0 $0x1082;
	s9 =	sld [smem:$0x3FA9]  }
0x2f: {  	lr =	sadd.s32 s0, s3;
	s0 =	sld [smem:$0x3FA0]  }
0x30: {  	s3 =	sld [smem:$0x3FA3]  }
0x31: {  	[smem:$0x3FAC] =	sst s10  }
0x32: {  	s10 =	sld [smem:$0x3FAA];
	_ =	sdelay $0x3  }
0x33: {  	p0 =	seq.s32 s10, $0x1;
	s10 =	sld [smem:$0x3FAC];
	_ =	sdelay $0x3  }
0x34: {  	[smem:$0x3FAC] =	sst s10  }
0x35: {  	s10 =	sld [smem:$0x3FAB];
	_ =	sdelay $0x3  }
0x36: {  	p1 =	seq.s32 s10, $0x1;
	s10 =	sld [smem:$0x3FAC];
	_ =	sdelay $0x3  }
0x37: {  	[smem:$0x3FAC] =	sst s10  }
0x38: {  	s10 =	sld [smem:$0x3FAD]  }
0x39: {  	_ = 	snop;
	(pc) =	sbr.ind lr, $3  }
0x3a: {  	_ = 	snop  }
0x3b: {  	_ = 	snop  }
0x3c: {  	p2 =	seq.s32 s10, $0x1;
	s10 =	sld [smem:$0x3FAC]  }
0x3d: {  	_ =	shalt  }
0x3e: {  	_ =	shalt  }
0x3f: {  	_ =	shalt  }
0x40: {  	_ =	shalt  }
0x41: {  	_ =	shalt  }
0x42: {  	_ =	shalt  }
0x43: {  	_ =	shalt  }
0x44: {  	_ =	shalt  }
0x45: {  	_ =	shalt  }
0x46: {  	_ =	shalt  }
0x47: {  	_ =	shalt  }
0x48: {  	_ =	shalt  }
0x49: {  	_ =	shalt  }
0x4a: {  	_ =	shalt  }
0x4b: {  	_ =	shalt  }
0x4c: {  	_ =	shalt  }
0x4d: {  	_ =	shalt  }
0x4e: {  	_ =	shalt  }
0x4f: {  	_ =	shalt  }
0x50: {  	_ =	shalt  }
0x51: {  	_ =	shalt  }
0x52: {  	_ =	shalt  }
0x53: {  	_ =	shalt  }
0x54: {  	_ =	shalt  }
0x55: {  	_ =	shalt  }
0x56: {  	_ =	shalt  }
0x57: {  	_ =	shalt  }
0x58: {  	_ =	shalt  }
0x59: {  	_ =	shalt  }
0x5a: {  	_ =	shalt  }
0x5b: {  	_ =	shalt  }
0x5c: {  	_ =	shalt  }
0x5d: {  	_ =	shalt  }
0x5e: {  	_ =	shalt  }
0x5f: {  	_ =	shalt  }
0x60: {  	_ =	shalt  }
0x61: {  	_ =	shalt  }
0x62: {  	_ =	shalt  }
0x63: {  	_ =	shalt  }
0x64: {  	_ =	shalt  }
0x65: {  	_ =	shalt  }
0x66: {  	_ =	shalt  }
0x67: {  	_ =	shalt  }
0x68: {  	_ =	shalt  }
0x69: {  	_ =	shalt  }
0x6a: {  	_ =	shalt  }
0x6b: {  	_ =	shalt  }
0x6c: {  	_ =	shalt  }
0x6d: {  	_ =	shalt  }
0x6e: {  	_ =	shalt  }
0x6f: {  	_ =	shalt  }
0x70: {  	_ =	shalt  }
0x71: {  	_ =	shalt  }
0x72: {  	_ =	shalt  }
0x73: {  	_ =	shalt  }
0x74: {  	_ =	shalt  }
0x75: {  	_ =	shalt  }
0x76: {  	_ =	shalt  }
0x77: {  	_ =	shalt  }
0x78: {  	_ =	shalt  }
0x79: {  	_ =	shalt  }
0x7a: {  	_ =	shalt  }
0x7b: {  	_ =	shalt  }
0x7c: {  	_ =	shalt  }
0x7d: {  	_ =	shalt  }
0x7e: {  	_ =	shalt  }
0x7f: {  	_ =	shalt  }
0x80: {  	_ =	shalt  }
0x81: {  	_ =	shalt  }
0x82: {  	_ =	shalt  }
0x83: {  	_ =	shalt  }
0x84: {  	_ =	shalt  }
0x85: {  	_ =	shalt  }
0x86: {  	_ =	shalt  }
0x87: {  	_ =	shalt  }
.Lfunc_end0:
.L_simem_size_0:
called_computation_lowered:
.L_overlay_start_0:
0x88: {  	s2 =	sld [smem:$0x3FD9]  }
0x89: {  	s3 =	sld [smem:$0x3FFE];
	_ =	sdelay $0x1  }
0x8a: {  	s1 =	srdreg.scid  }
0x8b: {  	s0 =	sand.u32 $0x1, s1  }
0x8c: {  	s14 =	sshll.u32 s0, $0xA;
	s2 =	sadd.s32 s3, s2  }
0x8d: {  	s2 =	sadd.s32 s2, s14  }
0x8e: {  	[smem:$0x3FB8] =	sst s2  }
0x8f: {  	_ = 	snop  }
0x90: {  	s2 =	sld [smem:$0x3FD0];
	_ =	sdelay $0x1  }
0x91: {  	s15 =	sld [smem:$0x3FC7]  }
0x92: {  	s5 =	simm.s32 $0xA;
	s6 =	simm.s32 $0x10;
	s4 =	sld [smem:$0x3FC6]  }
0x93: {  	[smem:s6], [sflag:s5] =	dma.local [hbm:s2], $0x1  }
0x94: {  	_ =	swait.eq [sflag:s5], $0x1  }
0x95: {  	[sflag:s5] =	ssyncset.done $0x0  }
0x96: {  	[sflag:s5] =	ssyncadd.s32 $0xFFFFFFFF  }
0x97: {  	s16 =	sld [smem:$0x11];
	(tm) =	ssettm $0x1  }
0x98: {  	s17 =	sld [smem:$0x3FFB];
	_ =	sdelay $0x3  }
0x99: {  	_ =	strace s17  }
0x9a: {  	s5 =	sld [smem:$0x3FFC];
	_ =	sdelay $0x3  }
0x9b: {  	_ =	strace s5  }
0x9c: {  	s5 =	sld [smem:$0x3FFD];
	_ =	sdelay $0x3  }
0x9d: {  	_ =	strace s5  }
0x9e: {  	_ =	strace $0x8FFFFFFF  }
0x9f: {  	s18 =	sld [smem:$0x3FDB];
	_ =	sdelay $0x1  }
0xa0: {  	s19 =	simm.s32 $_scs_section_size  }
0xa1: {  	s7 =	simm.s32 $_size__tile_overlayer_lowered;
	s8 =	simm.s32 $_tile_overlayer_lowered  }
0xa2: {  	s22 =	simm.s32 $0x1BFF;
	s21 =	sshll.u32 s8, $0x1;
	s5 =	sadd.s32 s19, s18  }
0xa3: {  	s9 =	simm.s32 $0x0;
	s20 =	sshll.u32 s7, $0x1;
	s7 =	sadd.s32 s21, s5  }
0xa4: {  	[timem:s9], [sflag:s22] =	dma.local [hbm:s7], s20  }
0xa5: {  	_ =	swait.ge [sflag:s22], s20  }
0xa6: {  	s6 =	ssub.s32 $0x0, s20;
	[sflag:s22] =	ssyncset.done $0x0  }
0xa7: {  	[sflag:s22] =	ssyncadd.s32 s6;
	_ =	sdelay $0x1  }
0xa8: {  	s23 =	simm.s32 $0x1B8B  }
0xa9: {  	_ =	swait.ge [sflag:s23], $0x1  }
0xaa: {  	[sflag:s23] =	ssyncset.done $0x0  }
0xab: {  	s25 =	simm.s32 $0x1B8E;
	s24 =	sld [smem:$0x3FFE];
	[sflag:s23] =	ssyncadd.s32 $0xFFFFFFFF  }
0xac: {  	s26 =	simm.s32 $execute0_lowered;
	[smem:$0x3FD2] =	sst s25  }
0xad: {  	s7 =	sshll.u32 s26, $0x1;
	_ =	strace $0x80000046;
	[dreg:$0x1] =	wrdreg $0xFFFFFFFF  }
0xae: {  	s28 =	simm.s32 $_size_execute0_lowered;
	s5 =	sadd.s32 s5, s7;
	[dreg:$0x0] =	wrdreg $0x0  }
0xaf: {  	s7 =	sshll.u32 s28, $0x1;
	[dreg:$0x2] =	wrdreg s5  }
0xb0: {  	[dreg:$0x3] =	wrdreg s7  }
0xb1: {  	[dreg:$0x4] =	wrdreg $0xC0  }
0xb2: {  	_ =	task [dreg:s9], $0x5FFFF  }
0xb3: {  	[dreg:$0x1] =	wrdreg $0xFFFFFFFF  }
0xb4: {  	[dreg:$0x0] =	wrdreg $0x60  }
0xb5: {  	[dreg:$0x2] =	wrdreg s16  }
0xb6: {  	[dreg:$0x3] =	wrdreg s24  }
0xb7: {  	[dreg:$0x4] =	wrdreg s15  }
0xb8: {  	[dreg:$0x5] =	wrdreg s4  }
0xb9: {  	[dreg:$0x6] =	wrdreg $0x9  }
0xba: {  	_ =	task.clear_ibuf [dreg:s9], $0x7FFFF;
	_ =	strace $0x90000046  }
0xbb: {  	s29 =	simm.s32 $0x9;
	_ =	strace $0x80000048  }
0xbc: {  	_ =	swait.ge [sflag:s29], $0x1  }
0xbd: {  	[sflag:s29] =	ssyncadd.s32 $0xFFFFFFFF  }
0xbe: {  	_ =	strace $0x90000048  }
0xbf: {  	_ =	sfence  }
0xc0: {  	s30 =	sld [smem:$0x0];
	_ =	sdelay $0x2  }
0xc1: {  	s31 =	sshll.u32 s1, $0xD;
	s1 =	sshrl.u32 s1, $0x2  }
0xc2: {  	s3 =	sand.u32 $0x4000, s31;
	s1 =	sadd.s32 s1, s30  }
0xc3: {  	s0 =	sor.u32 s3, s0;
	s1 =	sshll.u32 s1, $0x11  }
0xc4: {  	s0 =	sor.u32 s1, s0  }
0xc5: {  	s0 =	sadd.s32 $0x8F2B, s0  }
0xc6: {  	[sflag:s0] =	ssyncadd.remote.s32 $0x1  }
0xc7: {  	_ =	sfence.sel $0xFFFF  }
0xc8: {  	[dreg:$0x0] =	wrdreg $0xFFFFFFFF;
	(pc) =	sbr.abs _section_cstart, $3  }
0xc9: {  	[dreg:$0x1] =	wrdreg $0xFFFFFFFF  }
0xca: {  	_ =	task.clear_ibuf [dreg:s9], $0x2FFFF;
	_ =	strace $0x9FFFFFFF  }
0xcb: {  	(tm) =	ssettm $0x7FFFFFFF  }
tec
execute0_lowered:
.L_overlay_start_1:
0x0: {  	(tag) =	ssettag $0x1  }
0x1: {  	s1 =	rddreg [dreg:$0x0]  }
0x2: {  	s5 =	rddreg [dreg:$0x1]  }
0x3: {  	s9 =	rddreg [dreg:$0x2]  }
0x4: {  	s8 =	rddreg [dreg:$0x3]  }
0x5: {  	s0 =	rddreg [dreg:$0x4];
	s2 =	stileid.u32  }
0x6: {  	s3 =	simm.s32 $0x0;
	s4 =	srdreg.scid;
	s14 =	simm.s32 $0x2900  }
0x7: {  	s15 =	simm.s32 $0x1;
	s16 =	simm.s32 $0x2;
	s6 =	smul.u32 $0x4E200, s2  }
0x8: {  	s17 =	simm.s32 $0x0;
	s7 =	sand.u32 $0x1, s4;
	s10 =	smul.u32 $0x4E20, s2  }
0x9: {  	[smem:$0x7FF] =	sst s3;
	s11 =	ssub.s32 $0x2, s7;
	s12 =	smul.u32 $0x2710, s7  }
0xa: {  	s4 =	sadd.s32 $0x3E00, s5;
	s7 =	smul.u32 $0x27100, s7;
	s13 =	sshrl.u32 s11, $0x1  }
0xb: {  	_ =	strace $0x80000047;
	s6 =	sadd.s32 s6, s5;
	s31 =	ssub.s32 s11, s13  }
0xc: {  	s10 =	sadd.s32 s12, s10;
	s7 =	sadd.s32 s7, s6;
	s11 =	simm.s32 $0x2880  }
0xd: {  	s12 =	simm.s32 $0x50;
	s13 =	simm.s32 $0x80;
	s5 =	smax.u32 s31, $0x1  }
0xe: {  	s10 =	sshrl.u32 s10, $0x3;
	s6 =	sadd.s32 $0x2B000, s7;
	s7 =	sadd.s32 $0x50D000, s7  }
0xf: {  	s8 =	sadd.s32 s10, s8;
	s9 =	sadd.s32 s10, s9;
	s10 =	simm.s32 $0x3  }
.LBB2_1:
0x10: {  	s18 =	sadd.s32 $0x0, s9  }
0x11: {  	[tilespmem:s3], [sflag:$0x3] =	stream.linear.gather [hbm4b:s18+s3], $0x50, $0x38;
	[tilespmem:$0x5100] =	vst v63  }
0x12: {  	_ =	swait.ge [sflag:s10], $0x50  }
0x13: {  	[sflag:s10] =	ssyncset.done $0x0  }
0x14: {  	s31 =	sadd.s32 $0x0, s8;
	[sflag:s10] =	ssyncadd.s32 $0xFFFFFFB0  }
0x15: {  	[tilespmem:s11], [sflag:$0x3] =	stream.linear.gather [hbm4b:s31+s3], $0x50, $0x38;
	[tilespmem:$0x5100] =	vst v63  }
0x16: {  	_ =	swait.ge [sflag:s10], $0x50  }
0x17: {  	[sflag:s10] =	ssyncset.done $0x0  }
0x18: {  	[sflag:s10] =	ssyncadd.s32 $0xFFFFFFB0  }
0x19: {  	[tilespmem:s13], [sflag:$0x1] =	stream.indirect.gather [hbm4b:s1+s12], $0x80, s3, s12, $0xb8;
	[tilespmem:$0x5100] =	vst v63  }
0x1a: {  	_ = 	snop  }
0x1b: {  	[tilespmem:s14], [sflag:$0x2] =	stream.indirect.gather [hbm4b:s4+s12], $0x80, s11, s12, $0xb8;
	[tilespmem:$0x5100] =	vst v63  }
0x1c: {  	_ =	swait.ge [sflag:s15], $0x2800  }
0x1d: {  	[sflag:s15] =	ssyncset.done $0x0  }
0x1e: {  	[sflag:s15] =	ssyncadd.s32 $0xFFFFD800  }
0x1f: {  	_ =	swait.ge [sflag:s16], $0x2800  }
0x20: {  	[sflag:s16] =	ssyncset.done $0x0  }
0x21: {  	[sflag:s16] =	ssyncadd.s32 $0xFFFFD800  }
0x22: {  	[hbm4b:s6+s3] =	stream.linear.scatter [tilespmem:s13], [sflag:$0x3], $0x2800, $0x38;
	[tilespmem:$0x5100] =	vst v63  }
0x23: {  	_ =	swait.ge [sflag:s10], $0x2800  }
0x24: {  	[sflag:s10] =	ssyncset.done $0x0  }
0x25: {  	[sflag:s10] =	ssyncadd.s32 $0xFFFFD800  }
0x26: {  	[hbm4b:s7+s3] =	stream.linear.scatter [tilespmem:s14], [sflag:$0x3], $0x2800, $0x38;
	[tilespmem:$0x5100] =	vst v63  }
0x27: {  	s20 =	simm.s32 $0xA;
	s21 =	simm.s32 $0x14;
	_ =	swait.ge [sflag:s10], $0x2800  }
0x28: {  	s19 =	sadd.s32 $0x500, s6;
	s18 =	sadd.s32 $0x500, s7;
	[sflag:s10] =	ssyncset.done $0x0  }
.LBB2_2:
0x29: {  	s22 =	sadd.s32 s20, s9  }
0x2a: {  	[sflag:s10] =	ssyncadd.s32 $0xFFFFD800;
	s23 =	smov.u32 s21;
	s24 =	sadd.s32 $0xA, s21  }
0x2b: {  	[tilespmem:s3], [sflag:$0x3] =	stream.linear.gather [hbm4b:s22+s3], $0x50, $0x38;
	[tilespmem:$0x5100] =	vst v63  }
0x2c: {  	p0 =	sne.s32 s21, $0x4D8;
	_ =	swait.ge [sflag:s10], $0x50  }
0x2d: {  	[sflag:s10] =	ssyncset.done $0x0  }
0x2e: {  	s21 =	sadd.s32 s20, s8;
	s20 =	smov.u32 s23;
	[sflag:s10] =	ssyncadd.s32 $0xFFFFFFB0  }
0x2f: {  	[tilespmem:s11], [sflag:$0x3] =	stream.linear.gather [hbm4b:s21+s3], $0x50, $0x38;
	[tilespmem:$0x5100] =	vst v63  }
0x30: {  	_ =	swait.ge [sflag:s10], $0x50  }
0x31: {  	[sflag:s10] =	ssyncset.done $0x0  }
0x32: {  	[sflag:s10] =	ssyncadd.s32 $0xFFFFFFB0  }
0x33: {  	[tilespmem:s13], [sflag:$0x1] =	stream.indirect.gather [hbm4b:s1+s12], $0x80, s3, s12, $0xb8;
	[tilespmem:$0x5100] =	vst v63  }
0x34: {  	_ = 	snop  }
0x35: {  	[tilespmem:s14], [sflag:$0x2] =	stream.indirect.gather [hbm4b:s4+s12], $0x80, s11, s12, $0xb8;
	[tilespmem:$0x5100] =	vst v63  }
0x36: {  	_ =	swait.ge [sflag:s15], $0x2800  }
0x37: {  	[sflag:s15] =	ssyncset.done $0x0  }
0x38: {  	[sflag:s15] =	ssyncadd.s32 $0xFFFFD800  }
0x39: {  	_ =	swait.ge [sflag:s16], $0x2800  }
0x3a: {  	[sflag:s16] =	ssyncset.done $0x0  }
0x3b: {  	[sflag:s16] =	ssyncadd.s32 $0xFFFFD800  }
0x3c: {  	[hbm4b:s19+s3] =	stream.linear.scatter [tilespmem:s13], [sflag:$0x3], $0x2800, $0x38;
	[tilespmem:$0x5100] =	vst v63  }
0x3d: {  	_ =	swait.ge [sflag:s10], $0x2800  }
.Ltmp0:
0x3e: {  	[sflag:s10] =	ssyncset.done $0x0;
	(pc) =	sbr.rel @p0 .LBB2_2-.Ltmp0, $4  }
0x3f: {  	[sflag:s10] =	ssyncadd.s32 $0xFFFFD800  }
0x40: {  	[hbm4b:s18+s3] =	stream.linear.scatter [tilespmem:s14], [sflag:$0x3], $0x2800, $0x38;
	[tilespmem:$0x5100] =	vst v63  }
0x41: {  	s21 =	smov.u32 s24;
	_ =	swait.ge [sflag:s10], $0x2800  }
0x42: {  	s19 =	sadd.s32 $0x500, s19;
	s18 =	sadd.s32 $0x500, s18;
	[sflag:s10] =	ssyncset.done $0x0  }
0x43: {  	s21 =	sadd.s32 s20, s9;
	[sflag:s10] =	ssyncadd.s32 $0xFFFFD800  }
0x44: {  	[tilespmem:s3], [sflag:$0x3] =	stream.linear.gather [hbm4b:s21+s3], $0x50, $0x38;
	[tilespmem:$0x5100] =	vst v63  }
0x45: {  	_ =	swait.ge [sflag:s10], $0x50  }
0x46: {  	[sflag:s10] =	ssyncset.done $0x0  }
0x47: {  	s31 =	sadd.s32 s20, s8;
	[sflag:s10] =	ssyncadd.s32 $0xFFFFFFB0  }
0x48: {  	[tilespmem:s11], [sflag:$0x3] =	stream.linear.gather [hbm4b:s31+s3], $0x50, $0x38;
	[tilespmem:$0x5100] =	vst v63  }
0x49: {  	_ =	swait.ge [sflag:s10], $0x50  }
0x4a: {  	[sflag:s10] =	ssyncset.done $0x0  }
0x4b: {  	[sflag:s10] =	ssyncadd.s32 $0xFFFFFFB0  }
0x4c: {  	[tilespmem:s13], [sflag:$0x1] =	stream.indirect.gather [hbm4b:s1+s12], $0x80, s3, s12, $0xb8;
	[tilespmem:$0x5100] =	vst v63  }
0x4d: {  	_ = 	snop  }
0x4e: {  	[tilespmem:s14], [sflag:$0x2] =	stream.indirect.gather [hbm4b:s4+s12], $0x80, s11, s12, $0xb8;
	[tilespmem:$0x5100] =	vst v63  }
0x4f: {  	_ =	swait.ge [sflag:s15], $0x2800  }
0x50: {  	[sflag:s15] =	ssyncset.done $0x0  }
0x51: {  	[sflag:s15] =	ssyncadd.s32 $0xFFFFD800  }
0x52: {  	_ =	swait.ge [sflag:s16], $0x2800  }
0x53: {  	[sflag:s16] =	ssyncset.done $0x0  }
0x54: {  	[sflag:s16] =	ssyncadd.s32 $0xFFFFD800  }
0x55: {  	[hbm4b:s19+s3] =	stream.linear.scatter [tilespmem:s13], [sflag:$0x3], $0x2800, $0x38;
	[tilespmem:$0x5100] =	vst v63  }
0x56: {  	s17 =	sadd.s32 $0x1, s17;
	_ =	swait.ge [sflag:s10], $0x2800  }
0x57: {  	p0 =	sne.s32 s17, s5;
	[sflag:s10] =	ssyncset.done $0x0  }
.Ltmp1:
0x58: {  	[sflag:s10] =	ssyncadd.s32 $0xFFFFD800;
	(pc) =	sbr.rel @p0 .LBB2_1-.Ltmp1, $4  }
0x59: {  	[hbm4b:s18+s3] =	stream.linear.scatter [tilespmem:s14], [sflag:$0x3], $0x2800, $0x38;
	[tilespmem:$0x5100] =	vst v63  }
0x5a: {  	_ =	swait.ge [sflag:s10], $0x2800  }
0x5b: {  	[sflag:s10] =	ssyncset.done $0x0  }
0x5c: {  	[sflag:s10] =	ssyncadd.s32 $0xFFFFD800  }
0x5d: {  	_ =	sfence.sel $0x180000  }
0x5e: {  	[bflag:$0x0] =	sbarrier.arrive $0xFFFF  }
0x5f: {  	p0 =	sne.s32 s2, $0x0;
	_ =	strace $0x90000047  }
0x60: {  	s0 =	sadd.s32 @!p0 $0x100000, s0;
	[bflag:$0x2] =	sbarrier.arrive $0xFFFF  }
0x61: {  	[sflag:s0] =	ssyncadd.tile.s32 @!p0 $0x1;
	_ =	shalt  }
.Lfunc_end2:
_tile_overlayer_lowered:
.L_overlay_start_2:
0x62: {  	(tag) =	ssettag $0x2  }
0x63: {  	s0 =	rddreg [dreg:$0x0];
	s2 =	stileid.u32  }
0x64: {  	s1 =	rddreg [dreg:$0x1];
	p0 =	sne.s32 s2, $0x0  }
0x65: {  	s3 =	rddreg [dreg:$0x2];
	[bflag:$0x3] =	sbarrier.arrive $0xFFFF;
	s2 =	simm.s32 @!p0 $0x1C03  }
0x66: {  	[timem:s3], [sflag:s2] =	dma.local @!p0 [hbm:s0], s1  }
0x67: {  	s0 =	simm.s32 @!p0 $0x3  }
0x68: {  	_ =	swait.ge @!p0 [sflag:s0], s1  }
0x69: {  	s1 =	ssub.s32 @!p0 $0x0, s1;
	[sflag:s0] =	ssyncset.done @!p0 $0x0  }
0x6a: {  	[sflag:s0] =	ssyncadd.s32 @!p0 s1  }
0x6b: {  	[bflag:$0x3] =	sbarrier.arrive $0xFFFF  }
0x6c: {  	_ =	shalt  }

</sc_bundles>
